<compile_context>
chip_gen: v7x
topology: tpu7x:2x2x1
jax: 0.10.2.dev20260603
libtpu: 0.0.44.dev20260713+nightly
codegen_flags: <defaults>
</compile_context>

<pallas_src>
import functools

import jax
import jax.numpy as jnp
from jax import lax
from jax.experimental import pallas as pl
from jax.experimental.pallas import tpu as pltpu
from jax.experimental.pallas import tpu_sc as plsc

_VOCAB = 128
_HIDDEN = 128
_BATCH = 4
_SEQ = 8192
_B = _BATCH * _SEQ
_NC = 2
_NS = 16
_NW = _NC * _NS
_BPW = _B // _NW
_CH = 128
_NCHUNK = _BPW // _CH
_NBUF = 4


def _make_emb_kernel():
    mesh = plsc.VectorSubcoreMesh(core_axis_name="c", subcore_axis_name="s")
    out_s = jax.ShapeDtypeStruct((_B, _HIDDEN), jnp.float32)

    @functools.partial(
        pl.kernel,
        mesh=mesh,
        out_type=[out_s, out_s],
        scratch_types=[
            pltpu.VMEM((_BPW,), jnp.int32),
            pltpu.VMEM((_NBUF, _CH, _HIDDEN), jnp.float32),
            pltpu.VMEM_SHARED((_VOCAB, _HIDDEN), jnp.float32),
        ]
        + [pltpu.SemaphoreType.DMA] * (3 * _NBUF),
    )
    def emb(table_hbm, idx_hbm, out1_hbm, out2_hbm, idx_v, rows_v, table_sh,
            *sems):
        gsems = sems[:_NBUF]
        w1sems = sems[_NBUF:2 * _NBUF]
        w2sems = sems[2 * _NBUF:]
        sid = lax.axis_index("s")
        wid = sid * _NC + lax.axis_index("c")
        base = wid * _BPW

        rows_per_tile = _VOCAB // _NS
        tbl = pl.ds(sid * rows_per_tile, rows_per_tile)
        tcp = pltpu.async_copy(table_hbm.at[tbl], table_sh.at[tbl], gsems[0])
        icp = pltpu.async_copy(
            idx_hbm.at[wid // 8, pl.ds((wid % 8) * _BPW, _BPW)],
            idx_v,
            gsems[1],
        )
        tcp.wait()
        icp.wait()
        plsc.subcore_barrier()

        sizes = [32, 96] + [_CH] * (_NCHUNK - 2) + [96, 32]
        offs = [0]
        for s in sizes[:-1]:
            offs.append(offs[-1] + s)
        nslice = len(sizes)

        def gstart(j):
            return pltpu.async_copy(
                table_sh.at[idx_v.at[pl.ds(offs[j], sizes[j])]],
                rows_v.at[j % _NBUF, pl.ds(0, sizes[j])],
                gsems[j % _NBUF],
            )

        def wstart(j):
            b = j % _NBUF
            src = rows_v.at[b, pl.ds(0, sizes[j])]
            dst = pl.ds(base + offs[j], sizes[j])
            return (
                pltpu.async_copy(src, out1_hbm.at[dst], w1sems[b]),
                pltpu.async_copy(src, out2_hbm.at[dst], w2sems[b]),
            )

        gcp = {j: gstart(j) for j in range(_NBUF - 1)}
        wcp = {}
        for j in range(nslice):
            gcp[j].wait()
            wcp[j] = wstart(j)
            nj = j + _NBUF - 1
            if nj < nslice:
                if nj - _NBUF >= 0:
                    for c in wcp[nj - _NBUF]:
                        c.wait()
                gcp[nj] = gstart(nj)
        for j in range(nslice - _NBUF, nslice):
            if j >= 0:
                for c in wcp[j]:
                    c.wait()

    return emb


_emb = _make_emb_kernel()


def kernel(input_ids, embed_weight):
    ids = input_ids.astype(jnp.int32)
    out1, out2 = _emb(embed_weight, ids)
    return (
        out1.reshape(_BATCH, _SEQ, _HIDDEN),
        out2.reshape(_BATCH, _SEQ, _HIDDEN),
    )

# --- scband reference (transcript-rebuilt; emitter-appended) ---
"""Pipeline reference for scband-dummy-qwen-model-70274254897571 (READ-ONLY COPY).

The authoritative reference and input builder live on the scoring server;
editing this copy changes nothing except your own understanding.
"""

import jax, jax.numpy as jnp
import numpy as np

VOCAB = 128
HIDDEN = 128
BATCH = 4
SEQ = 8192

def setup_inputs(seed: int = 0) -> dict:
    key = jax.random.key(seed)
    k_ids, k_w = jax.random.split(key)
    input_ids = jax.random.randint(k_ids, (BATCH, SEQ), 0, VOCAB, dtype=jnp.int64 if jax.config.jax_enable_x64 else jnp.int32)
    embed_weight = jax.random.normal(k_w, (VOCAB, HIDDEN), dtype=jnp.float32)
    return {"input_ids": input_ids, "embed_weight": embed_weight}

def reference(input_ids, embed_weight):
    # torch.nn.Embedding lookup: table[indices]
    hidden = jnp.take(embed_weight, input_ids, axis=0)
    # Original module returns SimpleNamespace with hidden_states=[hidden, hidden];
    # both entries are the identical tensor, so return the tuple faithfully.
    return (hidden, hidden)

if __name__ == "__main__":
    import jax
    _d = setup_inputs()
    print(jax.jit(kernel)(*tuple(_d.values())))

</pallas_src>

<mosaic_0001>
#map = affine_map<(d0, d1) -> (0, 0)>
module attributes {stable_mosaic.version = 14 : i64} {
  func.func @emb(%arg0: i32, %arg1: i32, %arg2: memref<128x128xf32, #tpu.memory_space<hbm>>, %arg3: memref<4x8192xi32, #tpu.memory_space<hbm>>, %arg4: memref<32768x128xf32, #tpu.memory_space<hbm>>, %arg5: memref<32768x128xf32, #tpu.memory_space<hbm>>, %arg6: memref<1024xi32, #tpu.memory_space<vmem>>, %arg7: memref<4x128x128xf32, #tpu.memory_space<vmem>>, %arg8: memref<128x128xf32, #tpu.memory_space<vmem_shared>>, %arg9: memref<!tpu.dma_semaphore, #tpu.memory_space<semaphore_mem>>, %arg10: memref<!tpu.dma_semaphore, #tpu.memory_space<semaphore_mem>>, %arg11: memref<!tpu.dma_semaphore, #tpu.memory_space<semaphore_mem>>, %arg12: memref<!tpu.dma_semaphore, #tpu.memory_space<semaphore_mem>>, %arg13: memref<!tpu.dma_semaphore, #tpu.memory_space<semaphore_mem>>, %arg14: memref<!tpu.dma_semaphore, #tpu.memory_space<semaphore_mem>>, %arg15: memref<!tpu.dma_semaphore, #tpu.memory_space<semaphore_mem>>, %arg16: memref<!tpu.dma_semaphore, #tpu.memory_space<semaphore_mem>>, %arg17: memref<!tpu.dma_semaphore, #tpu.memory_space<semaphore_mem>>, %arg18: memref<!tpu.dma_semaphore, #tpu.memory_space<semaphore_mem>>, %arg19: memref<!tpu.dma_semaphore, #tpu.memory_space<semaphore_mem>>, %arg20: memref<!tpu.dma_semaphore, #tpu.memory_space<semaphore_mem>>) attributes {dimension_semantics = [#tpu.dimension_semantics<core_parallel>, #tpu.dimension_semantics<subcore_parallel>], iteration_bounds = array<i64: 2, 16>, scalar_prefetch = 0 : i64, scratch_operands = 15 : i64, tpu.core_type = #tpu.core_type<sc_vector_subcore>, window_params = [{transform_indices = #map}, {transform_indices = #map}, {transform_indices = #map}, {transform_indices = #map}]} {
    %mul3A = arith.constant 2 : i32
    %mul3A_0 = arith.muli %arg1, %mul3A : i32
    %add3A = arith.addi %mul3A_0, %arg0 : i32
    %mul3A_1 = arith.constant 1024 : i32
    %mul3A_2 = arith.muli %add3A, %mul3A_1 : i32
    %mul3A_3 = arith.constant 8 : i32
    %mul3A_4 = arith.muli %arg1, %mul3A_3 : i32
    %dma_start3A = arith.constant 0 : i32
    %dma_start3A_5 = tpu.memref_slice %arg8[%mul3A_4, %dma_start3A] : memref<128x128xf32, #tpu.memory_space<vmem_shared>> -> memref<8x128xf32, #tpu.memory_space<vmem_shared>>
    %dma_start3A_6 = arith.constant 0 : i32
    %dma_start3A_7 = tpu.memref_slice %arg2[%mul3A_4, %dma_start3A_6] : memref<128x128xf32, #tpu.memory_space<hbm>> -> memref<8x128xf32, #tpu.memory_space<hbm>>
    tpu.enqueue_dma source(%dma_start3A_7 : memref<8x128xf32, #tpu.memory_space<hbm>>) target(%dma_start3A_5 : memref<8x128xf32, #tpu.memory_space<vmem_shared>>) target_semaphore(%arg9 : memref<!tpu.dma_semaphore, #tpu.memory_space<semaphore_mem>>)
    %jit3A = arith.constant 8 : i32
    %div3A = arith.divsi %add3A, %jit3A : i32
    %sign3A = arith.constant 0 : i32
    %sign3A_8 = arith.cmpi sgt, %add3A, %sign3A : i32
    %sign3A_9 = arith.extui %sign3A_8 : i1 to i32
    %sign3A_10 = arith.constant 0 : i32
    %sign3A_11 = arith.cmpi slt, %add3A, %sign3A_10 : i32
    %sign3A_12 = arith.extui %sign3A_11 : i1 to i32
    %sign3A_13 = arith.subi %sign3A_9, %sign3A_12 : i32
    %sign3A_14 = arith.constant 0 : i32
    %sign3A_15 = arith.cmpi sgt, %jit3A, %sign3A_14 : i32
    %sign3A_16 = arith.extui %sign3A_15 : i1 to i32
    %sign3A_17 = arith.constant 0 : i32
    %sign3A_18 = arith.cmpi slt, %jit3A, %sign3A_17 : i32
    %sign3A_19 = arith.extui %sign3A_18 : i1 to i32
    %sign3A_20 = arith.subi %sign3A_16, %sign3A_19 : i32
    %ne3A = arith.cmpi ne, %sign3A_13, %sign3A_20 : i32
    %rem3A = arith.remsi %add3A, %jit3A : i32
    %ne3A_21 = arith.constant 0 : i32
    %ne3A_22 = arith.cmpi ne, %rem3A, %ne3A_21 : i32
    %and3A = arith.andi %ne3A, %ne3A_22 : i1
    %sub3A = arith.constant 1 : i32
    %sub3A_23 = arith.subi %div3A, %sub3A : i32
    %select_n3A = arith.select %and3A, %sub3A_23, %div3A : i32
    %jit3A_24 = arith.constant 8 : i32
    %eq3A = arith.constant 0 : i32
    %eq3A_25 = arith.cmpi eq, %jit3A_24, %eq3A : i32
    %jit3A_26 = arith.constant 1 : i32
    %select_n3A_27 = arith.select %eq3A_25, %jit3A_26, %jit3A_24 : i32
    %rem3A_28 = arith.remsi %add3A, %select_n3A_27 : i32
    %ne3A_29 = arith.constant 0 : i32
    %ne3A_30 = arith.cmpi ne, %rem3A_28, %ne3A_29 : i32
    %lt3A = arith.constant 0 : i32
    %lt3A_31 = arith.cmpi slt, %rem3A_28, %lt3A : i32
    %lt3A_32 = arith.constant 0 : i32
    %lt3A_33 = arith.cmpi slt, %select_n3A_27, %lt3A_32 : i32
    %ne3A_34 = arith.xori %lt3A_31, %lt3A_33 : i1
    %and3A_35 = arith.andi %ne3A_34, %ne3A_30 : i1
    %add3A_36 = arith.addi %rem3A_28, %select_n3A_27 : i32
    %select_n3A_37 = arith.select %and3A_35, %add3A_36, %rem3A_28 : i32
    %mul3A_38 = arith.constant 1024 : i32
    %mul3A_39 = arith.muli %select_n3A_37, %mul3A_38 : i32
    %dma_start3A_40 = tpu.memref_slice %arg3[%select_n3A, %mul3A_39] : memref<4x8192xi32, #tpu.memory_space<hbm>> -> memref<1x1024xi32, #tpu.memory_space<hbm>>
    %dma_start3A_41 = tpu.memref_squeeze %dma_start3A_40 : memref<1x1024xi32, #tpu.memory_space<hbm>> -> memref<1024xi32, #tpu.memory_space<hbm>>
    %dma_start3A_42 = tpu.memref_slice %arg3[%select_n3A, %mul3A_39] : memref<4x8192xi32, #tpu.memory_space<hbm>> -> memref<1x1024xi32, #tpu.memory_space<hbm>>
    %dma_start3A_43 = tpu.memref_squeeze %dma_start3A_42 : memref<1x1024xi32, #tpu.memory_space<hbm>> -> memref<1024xi32, #tpu.memory_space<hbm>>
    tpu.enqueue_dma source(%dma_start3A_43 : memref<1024xi32, #tpu.memory_space<hbm>>) target(%arg6 : memref<1024xi32, #tpu.memory_space<vmem>>) target_semaphore(%arg10 : memref<!tpu.dma_semaphore, #tpu.memory_space<semaphore_mem>>)
    %dma_wait3A = arith.constant 0 : i32
    %dma_wait3A_44 = tpu.memref_slice %arg8[%mul3A_4, %dma_wait3A] : memref<128x128xf32, #tpu.memory_space<vmem_shared>> -> memref<8x128xf32, #tpu.memory_space<vmem_shared>>
    %dma_wait3A_45 = arith.constant 0 : i32
    %dma_wait3A_46 = tpu.memref_slice %arg2[%mul3A_4, %dma_wait3A_45] : memref<128x128xf32, #tpu.memory_space<hbm>> -> memref<8x128xf32, #tpu.memory_space<hbm>>
    tpu.wait_dma2 semaphore(%arg9 : memref<!tpu.dma_semaphore, #tpu.memory_space<semaphore_mem>>) src(%dma_wait3A_46 : memref<8x128xf32, #tpu.memory_space<hbm>>) dst(%dma_wait3A_44 : memref<8x128xf32, #tpu.memory_space<vmem_shared>>)
    %dma_wait3A_47 = tpu.memref_slice %arg3[%select_n3A, %mul3A_39] : memref<4x8192xi32, #tpu.memory_space<hbm>> -> memref<1x1024xi32, #tpu.memory_space<hbm>>
    %dma_wait3A_48 = tpu.memref_squeeze %dma_wait3A_47 : memref<1x1024xi32, #tpu.memory_space<hbm>> -> memref<1024xi32, #tpu.memory_space<hbm>>
    %dma_wait3A_49 = tpu.memref_slice %arg3[%select_n3A, %mul3A_39] : memref<4x8192xi32, #tpu.memory_space<hbm>> -> memref<1x1024xi32, #tpu.memory_space<hbm>>
    %dma_wait3A_50 = tpu.memref_squeeze %dma_wait3A_49 : memref<1x1024xi32, #tpu.memory_space<hbm>> -> memref<1024xi32, #tpu.memory_space<hbm>>
    tpu.wait_dma2 semaphore(%arg10 : memref<!tpu.dma_semaphore, #tpu.memory_space<semaphore_mem>>) src(%dma_wait3A_50 : memref<1024xi32, #tpu.memory_space<hbm>>) dst(%arg6 : memref<1024xi32, #tpu.memory_space<vmem>>)
    %barrier3A = arith.constant 0 : index
    tpu.barrier barrier_id(%barrier3A)
    %dma_start3A_51 = arith.constant 0 : i32
    %dma_start3A_52 = arith.constant 0 : i32
    %dma_start3A_53 = arith.constant 0 : i32
    %dma_start3A_54 = tpu.memref_slice %arg7[%dma_start3A_51, %dma_start3A_52, %dma_start3A_53] : memref<4x128x128xf32, #tpu.memory_space<vmem>> -> memref<1x32x128xf32, #tpu.memory_space<vmem>>
    %dma_start3A_55 = tpu.memref_squeeze %dma_start3A_54 : memref<1x32x128xf32, #tpu.memory_space<vmem>> -> memref<32x128xf32, #tpu.memory_space<vmem>>
    %dma_start3A_56 = arith.constant 0 : i32
    %dma_start3A_57 = tpu.memref_slice %arg6[%dma_start3A_56] : memref<1024xi32, #tpu.memory_space<vmem>> -> memref<32xi32, #tpu.memory_space<vmem>>
    %dma_start3A_58 = arith.constant 0 : i32
    %dma_start3A_59 = arith.constant 0 : i32
    %dma_start3A_60 = tpu.memref_slice %arg8[%dma_start3A_58, %dma_start3A_59] : memref<128x128xf32, #tpu.memory_space<vmem_shared>> -> memref<128x128xf32, #tpu.memory_space<vmem_shared>>
    tpu.enqueue_indirect_dma source(%dma_start3A_60 : memref<128x128xf32, #tpu.memory_space<vmem_shared>>) target(%dma_start3A_55 : memref<32x128xf32, #tpu.memory_space<vmem>>) offsets(%dma_start3A_57 : memref<32xi32, #tpu.memory_space<vmem>>) semaphore(%arg9 : memref<!tpu.dma_semaphore, #tpu.memory_space<semaphore_mem>>)
    %dma_start3A_61 = arith.constant 1 : i32
    %dma_start3A_62 = arith.constant 0 : i32
    %dma_start3A_63 = arith.constant 0 : i32
    %dma_start3A_64 = tpu.memref_slice %arg7[%dma_start3A_61, %dma_start3A_62, %dma_start3A_63] : memref<4x128x128xf32, #tpu.memory_space<vmem>> -> memref<1x96x128xf32, #tpu.memory_space<vmem>>
    %dma_start3A_65 = tpu.memref_squeeze %dma_start3A_64 : memref<1x96x128xf32, #tpu.memory_space<vmem>> -> memref<96x128xf32, #tpu.memory_space<vmem>>
    %dma_start3A_66 = arith.constant 32 : i32
    %dma_start3A_67 = tpu.memref_slice %arg6[%dma_start3A_66] : memref<1024xi32, #tpu.memory_space<vmem>> -> memref<96xi32, #tpu.memory_space<vmem>>
    %dma_start3A_68 = arith.constant 0 : i32
    %dma_start3A_69 = arith.constant 0 : i32
    %dma_start3A_70 = tpu.memref_slice %arg8[%dma_start3A_68, %dma_start3A_69] : memref<128x128xf32, #tpu.memory_space<vmem_shared>> -> memref<128x128xf32, #tpu.memory_space<vmem_shared>>
    tpu.enqueue_indirect_dma source(%dma_start3A_70 : memref<128x128xf32, #tpu.memory_space<vmem_shared>>) target(%dma_start3A_65 : memref<96x128xf32, #tpu.memory_space<vmem>>) offsets(%dma_start3A_67 : memref<96xi32, #tpu.memory_space<vmem>>) semaphore(%arg10 : memref<!tpu.dma_semaphore, #tpu.memory_space<semaphore_mem>>)
    %dma_start3A_71 = arith.constant 2 : i32
    %dma_start3A_72 = arith.constant 0 : i32
    %dma_start3A_73 = arith.constant 0 : i32
    %dma_start3A_74 = tpu.memref_slice %arg7[%dma_start3A_71, %dma_start3A_72, %dma_start3A_73] : memref<4x128x128xf32, #tpu.memory_space<vmem>> -> memref<1x128x128xf32, #tpu.memory_space<vmem>>
    %dma_start3A_75 = tpu.memref_squeeze %dma_start3A_74 : memref<1x128x128xf32, #tpu.memory_space<vmem>> -> memref<128x128xf32, #tpu.memory_space<vmem>>
    %dma_start3A_76 = arith.constant 128 : i32
    %dma_start3A_77 = tpu.memref_slice %arg6[%dma_start3A_76] : memref<1024xi32, #tpu.memory_space<vmem>> -> memref<128xi32, #tpu.memory_space<vmem>>
    %dma_start3A_78 = arith.constant 0 : i32
    %dma_start3A_79 = arith.constant 0 : i32
    %dma_start3A_80 = tpu.memref_slice %arg8[%dma_start3A_78, %dma_start3A_79] : memref<128x128xf32, #tpu.memory_space<vmem_shared>> -> memref<128x128xf32, #tpu.memory_space<vmem_shared>>
    tpu.enqueue_indirect_dma source(%dma_start3A_80 : memref<128x128xf32, #tpu.memory_space<vmem_shared>>) target(%dma_start3A_75 : memref<128x128xf32, #tpu.memory_space<vmem>>) offsets(%dma_start3A_77 : memref<128xi32, #tpu.memory_space<vmem>>) semaphore(%arg11 : memref<!tpu.dma_semaphore, #tpu.memory_space<semaphore_mem>>)
    %dma_wait3A_81 = arith.constant 0 : i32
    %dma_wait3A_82 = arith.constant 0 : i32
    %dma_wait3A_83 = arith.constant 0 : i32
    %dma_wait3A_84 = tpu.memref_slice %arg7[%dma_wait3A_81, %dma_wait3A_82, %dma_wait3A_83] : memref<4x128x128xf32, #tpu.memory_space<vmem>> -> memref<1x32x128xf32, #tpu.memory_space<vmem>>
    %dma_wait3A_85 = tpu.memref_squeeze %dma_wait3A_84 : memref<1x32x128xf32, #tpu.memory_space<vmem>> -> memref<32x128xf32, #tpu.memory_space<vmem>>
    %dma_wait3A_86 = arith.constant 0 : i32
    %dma_wait3A_87 = tpu.memref_slice %arg6[%dma_wait3A_86] : memref<1024xi32, #tpu.memory_space<vmem>> -> memref<32xi32, #tpu.memory_space<vmem>>
    %dma_wait3A_88 = arith.constant 0 : i32
    %dma_wait3A_89 = arith.constant 0 : i32
    %dma_wait3A_90 = tpu.memref_slice %arg8[%dma_wait3A_88, %dma_wait3A_89] : memref<128x128xf32, #tpu.memory_space<vmem_shared>> -> memref<128x128xf32, #tpu.memory_space<vmem_shared>>
    tpu.wait_indirect_dma semaphore(%arg9 : memref<!tpu.dma_semaphore, #tpu.memory_space<semaphore_mem>>) src(%dma_wait3A_90 : memref<128x128xf32, #tpu.memory_space<vmem_shared>>) dst(%dma_wait3A_85 : memref<32x128xf32, #tpu.memory_space<vmem>>)
    %add3A_91 = arith.constant 0 : i32
    %add3A_92 = arith.addi %mul3A_2, %add3A_91 : i32
    %dma_start3A_93 = arith.constant 0 : i32
    %dma_start3A_94 = arith.constant 0 : i32
    %dma_start3A_95 = arith.constant 0 : i32
    %dma_start3A_96 = tpu.memref_slice %arg7[%dma_start3A_93, %dma_start3A_94, %dma_start3A_95] : memref<4x128x128xf32, #tpu.memory_space<vmem>> -> memref<1x32x128xf32, #tpu.memory_space<vmem>>
    %dma_start3A_97 = tpu.memref_squeeze %dma_start3A_96 : memref<1x32x128xf32, #tpu.memory_space<vmem>> -> memref<32x128xf32, #tpu.memory_space<vmem>>
    %dma_start3A_98 = arith.constant 0 : i32
    %dma_start3A_99 = tpu.memref_slice %arg4[%add3A_92, %dma_start3A_98] : memref<32768x128xf32, #tpu.memory_space<hbm>> -> memref<32x128xf32, #tpu.memory_space<hbm>>
    %dma_start3A_100 = arith.constant 0 : i32
    %dma_start3A_101 = tpu.memref_slice %arg4[%add3A_92, %dma_start3A_100] : memref<32768x128xf32, #tpu.memory_space<hbm>> -> memref<32x128xf32, #tpu.memory_space<hbm>>
    %dma_start3A_102 = arith.constant 0 : i32
    %dma_start3A_103 = arith.constant 0 : i32
    %dma_start3A_104 = tpu.memref_slice %arg7[%dma_start3A_93, %dma_start3A_102, %dma_start3A_103] : memref<4x128x128xf32, #tpu.memory_space<vmem>> -> memref<1x32x128xf32, #tpu.memory_space<vmem>>
    %dma_start3A_105 = tpu.memref_squeeze %dma_start3A_104 : memref<1x32x128xf32, #tpu.memory_space<vmem>> -> memref<32x128xf32, #tpu.memory_space<vmem>>
    tpu.enqueue_dma source(%dma_start3A_105 : memref<32x128xf32, #tpu.memory_space<vmem>>) target(%dma_start3A_101 : memref<32x128xf32, #tpu.memory_space<hbm>>) target_semaphore(%arg13 : memref<!tpu.dma_semaphore, #tpu.memory_space<semaphore_mem>>)
    %dma_start3A_106 = arith.constant 0 : i32
    %dma_start3A_107 = arith.constant 0 : i32
    %dma_start3A_108 = arith.constant 0 : i32
    %dma_start3A_109 = tpu.memref_slice %arg7[%dma_start3A_106, %dma_start3A_107, %dma_start3A_108] : memref<4x128x128xf32, #tpu.memory_space<vmem>> -> memref<1x32x128xf32, #tpu.memory_space<vmem>>
    %dma_start3A_110 = tpu.memref_squeeze %dma_start3A_109 : memref<1x32x128xf32, #tpu.memory_space<vmem>> -> memref<32x128xf32, #tpu.memory_space<vmem>>
    %dma_start3A_111 = arith.constant 0 : i32
    %dma_start3A_112 = tpu.memref_slice %arg5[%add3A_92, %dma_start3A_111] : memref<32768x128xf32, #tpu.memory_space<hbm>> -> memref<32x128xf32, #tpu.memory_space<hbm>>
    %dma_start3A_113 = arith.constant 0 : i32
    %dma_start3A_114 = tpu.memref_slice %arg5[%add3A_92, %dma_start3A_113] : memref<32768x128xf32, #tpu.memory_space<hbm>> -> memref<32x128xf32, #tpu.memory_space<hbm>>
    %dma_start3A_115 = arith.constant 0 : i32
    %dma_start3A_116 = arith.constant 0 : i32
    %dma_start3A_117 = tpu.memref_slice %arg7[%dma_start3A_106, %dma_start3A_115, %dma_start3A_116] : memref<4x128x128xf32, #tpu.memory_space<vmem>> -> memref<1x32x128xf32, #tpu.memory_space<vmem>>
    %dma_start3A_118 = tpu.memref_squeeze %dma_start3A_117 : memref<1x32x128xf32, #tpu.memory_space<vmem>> -> memref<32x128xf32, #tpu.memory_space<vmem>>
    tpu.enqueue_dma source(%dma_start3A_118 : memref<32x128xf32, #tpu.memory_space<vmem>>) target(%dma_start3A_114 : memref<32x128xf32, #tpu.memory_space<hbm>>) target_semaphore(%arg17 : memref<!tpu.dma_semaphore, #tpu.memory_space<semaphore_mem>>)
    %dma_start3A_119 = arith.constant 3 : i32
    %dma_start3A_120 = arith.constant 0 : i32
    %dma_start3A_121 = arith.constant 0 : i32
    %dma_start3A_122 = tpu.memref_slice %arg7[%dma_start3A_119, %dma_start3A_120, %dma_start3A_121] : memref<4x128x128xf32, #tpu.memory_space<vmem>> -> memref<1x128x128xf32, #tpu.memory_space<vmem>>
    %dma_start3A_123 = tpu.memref_squeeze %dma_start3A_122 : memref<1x128x128xf32, #tpu.memory_space<vmem>> -> memref<128x128xf32, #tpu.memory_space<vmem>>
    %dma_start3A_124 = arith.constant 256 : i32
    %dma_start3A_125 = tpu.memref_slice %arg6[%dma_start3A_124] : memref<1024xi32, #tpu.memory_space<vmem>> -> memref<128xi32, #tpu.memory_space<vmem>>
    %dma_start3A_126 = arith.constant 0 : i32
    %dma_start3A_127 = arith.constant 0 : i32
    %dma_start3A_128 = tpu.memref_slice %arg8[%dma_start3A_126, %dma_start3A_127] : memref<128x128xf32, #tpu.memory_space<vmem_shared>> -> memref<128x128xf32, #tpu.memory_space<vmem_shared>>
    tpu.enqueue_indirect_dma source(%dma_start3A_128 : memref<128x128xf32, #tpu.memory_space<vmem_shared>>) target(%dma_start3A_123 : memref<128x128xf32, #tpu.memory_space<vmem>>) offsets(%dma_start3A_125 : memref<128xi32, #tpu.memory_space<vmem>>) semaphore(%arg12 : memref<!tpu.dma_semaphore, #tpu.memory_space<semaphore_mem>>)
    %dma_wait3A_129 = arith.constant 1 : i32
    %dma_wait3A_130 = arith.constant 0 : i32
    %dma_wait3A_131 = arith.constant 0 : i32
    %dma_wait3A_132 = tpu.memref_slice %arg7[%dma_wait3A_129, %dma_wait3A_130, %dma_wait3A_131] : memref<4x128x128xf32, #tpu.memory_space<vmem>> -> memref<1x96x128xf32, #tpu.memory_space<vmem>>
    %dma_wait3A_133 = tpu.memref_squeeze %dma_wait3A_132 : memref<1x96x128xf32, #tpu.memory_space<vmem>> -> memref<96x128xf32, #tpu.memory_space<vmem>>
    %dma_wait3A_134 = arith.constant 32 : i32
    %dma_wait3A_135 = tpu.memref_slice %arg6[%dma_wait3A_134] : memref<1024xi32, #tpu.memory_space<vmem>> -> memref<96xi32, #tpu.memory_space<vmem>>
    %dma_wait3A_136 = arith.constant 0 : i32
    %dma_wait3A_137 = arith.constant 0 : i32
    %dma_wait3A_138 = tpu.memref_slice %arg8[%dma_wait3A_136, %dma_wait3A_137] : memref<128x128xf32, #tpu.memory_space<vmem_shared>> -> memref<128x128xf32, #tpu.memory_space<vmem_shared>>
    tpu.wait_indirect_dma semaphore(%arg10 : memref<!tpu.dma_semaphore, #tpu.memory_space<semaphore_mem>>) src(%dma_wait3A_138 : memref<128x128xf32, #tpu.memory_space<vmem_shared>>) dst(%dma_wait3A_133 : memref<96x128xf32, #tpu.memory_space<vmem>>)
    %add3A_139 = arith.constant 32 : i32
    %add3A_140 = arith.addi %mul3A_2, %add3A_139 : i32
    %dma_start3A_141 = arith.constant 1 : i32
    %dma_start3A_142 = arith.constant 0 : i32
    %dma_start3A_143 = arith.constant 0 : i32
    %dma_start3A_144 = tpu.memref_slice %arg7[%dma_start3A_141, %dma_start3A_142, %dma_start3A_143] : memref<4x128x128xf32, #tpu.memory_space<vmem>> -> memref<1x96x128xf32, #tpu.memory_space<vmem>>
    %dma_start3A_145 = tpu.memref_squeeze %dma_start3A_144 : memref<1x96x128xf32, #tpu.memory_space<vmem>> -> memref<96x128xf32, #tpu.memory_space<vmem>>
    %dma_start3A_146 = arith.constant 0 : i32
    %dma_start3A_147 = tpu.memref_slice %arg4[%add3A_140, %dma_start3A_146] : memref<32768x128xf32, #tpu.memory_space<hbm>> -> memref<96x128xf32, #tpu.memory_space<hbm>>
    %dma_start3A_148 = arith.constant 0 : i32
    %dma_start3A_149 = tpu.memref_slice %arg4[%add3A_140, %dma_start3A_148] : memref<32768x128xf32, #tpu.memory_space<hbm>> -> memref<96x128xf32, #tpu.memory_space<hbm>>
    %dma_start3A_150 = arith.constant 0 : i32
    %dma_start3A_151 = arith.constant 0 : i32
    %dma_start3A_152 = tpu.memref_slice %arg7[%dma_start3A_141, %dma_start3A_150, %dma_start3A_151] : memref<4x128x128xf32, #tpu.memory_space<vmem>> -> memref<1x96x128xf32, #tpu.memory_space<vmem>>
    %dma_start3A_153 = tpu.memref_squeeze %dma_start3A_152 : memref<1x96x128xf32, #tpu.memory_space<vmem>> -> memref<96x128xf32, #tpu.memory_space<vmem>>
    tpu.enqueue_dma source(%dma_start3A_153 : memref<96x128xf32, #tpu.memory_space<vmem>>) target(%dma_start3A_149 : memref<96x128xf32, #tpu.memory_space<hbm>>) target_semaphore(%arg14 : memref<!tpu.dma_semaphore, #tpu.memory_space<semaphore_mem>>)
    %dma_start3A_154 = arith.constant 1 : i32
    %dma_start3A_155 = arith.constant 0 : i32
    %dma_start3A_156 = arith.constant 0 : i32
    %dma_start3A_157 = tpu.memref_slice %arg7[%dma_start3A_154, %dma_start3A_155, %dma_start3A_156] : memref<4x128x128xf32, #tpu.memory_space<vmem>> -> memref<1x96x128xf32, #tpu.memory_space<vmem>>
    %dma_start3A_158 = tpu.memref_squeeze %dma_start3A_157 : memref<1x96x128xf32, #tpu.memory_space<vmem>> -> memref<96x128xf32, #tpu.memory_space<vmem>>
    %dma_start3A_159 = arith.constant 0 : i32
    %dma_start3A_160 = tpu.memref_slice %arg5[%add3A_140, %dma_start3A_159] : memref<32768x128xf32, #tpu.memory_space<hbm>> -> memref<96x128xf32, #tpu.memory_space<hbm>>
    %dma_start3A_161 = arith.constant 0 : i32
    %dma_start3A_162 = tpu.memref_slice %arg5[%add3A_140, %dma_start3A_161] : memref<32768x128xf32, #tpu.memory_space<hbm>> -> memref<96x128xf32, #tpu.memory_space<hbm>>
    %dma_start3A_163 = arith.constant 0 : i32
    %dma_start3A_164 = arith.constant 0 : i32
    %dma_start3A_165 = tpu.memref_slice %arg7[%dma_start3A_154, %dma_start3A_163, %dma_start3A_164] : memref<4x128x128xf32, #tpu.memory_space<vmem>> -> memref<1x96x128xf32, #tpu.memory_space<vmem>>
    %dma_start3A_166 = tpu.memref_squeeze %dma_start3A_165 : memref<1x96x128xf32, #tpu.memory_space<vmem>> -> memref<96x128xf32, #tpu.memory_space<vmem>>
    tpu.enqueue_dma source(%dma_start3A_166 : memref<96x128xf32, #tpu.memory_space<vmem>>) target(%dma_start3A_162 : memref<96x128xf32, #tpu.memory_space<hbm>>) target_semaphore(%arg18 : memref<!tpu.dma_semaphore, #tpu.memory_space<semaphore_mem>>)
    %dma_wait3A_167 = arith.constant 0 : i32
    %dma_wait3A_168 = arith.constant 0 : i32
    %dma_wait3A_169 = arith.constant 0 : i32
    %dma_wait3A_170 = tpu.memref_slice %arg7[%dma_wait3A_167, %dma_wait3A_168, %dma_wait3A_169] : memref<4x128x128xf32, #tpu.memory_space<vmem>> -> memref<1x32x128xf32, #tpu.memory_space<vmem>>
    %dma_wait3A_171 = tpu.memref_squeeze %dma_wait3A_170 : memref<1x32x128xf32, #tpu.memory_space<vmem>> -> memref<32x128xf32, #tpu.memory_space<vmem>>
    %dma_wait3A_172 = arith.constant 0 : i32
    %dma_wait3A_173 = tpu.memref_slice %arg4[%add3A_92, %dma_wait3A_172] : memref<32768x128xf32, #tpu.memory_space<hbm>> -> memref<32x128xf32, #tpu.memory_space<hbm>>
    %dma_wait3A_174 = arith.constant 0 : i32
    %dma_wait3A_175 = tpu.memref_slice %arg4[%add3A_92, %dma_wait3A_174] : memref<32768x128xf32, #tpu.memory_space<hbm>> -> memref<32x128xf32, #tpu.memory_space<hbm>>
    %dma_wait3A_176 = arith.constant 0 : i32
    %dma_wait3A_177 = arith.constant 0 : i32
    %dma_wait3A_178 = tpu.memref_slice %arg7[%dma_wait3A_167, %dma_wait3A_176, %dma_wait3A_177] : memref<4x128x128xf32, #tpu.memory_space<vmem>> -> memref<1x32x128xf32, #tpu.memory_space<vmem>>
    %dma_wait3A_179 = tpu.memref_squeeze %dma_wait3A_178 : memref<1x32x128xf32, #tpu.memory_space<vmem>> -> memref<32x128xf32, #tpu.memory_space<vmem>>
    tpu.wait_dma2 semaphore(%arg13 : memref<!tpu.dma_semaphore, #tpu.memory_space<semaphore_mem>>) src(%dma_wait3A_179 : memref<32x128xf32, #tpu.memory_space<vmem>>) dst(%dma_wait3A_175 : memref<32x128xf32, #tpu.memory_space<hbm>>)
    %dma_wait3A_180 = arith.constant 0 : i32
    %dma_wait3A_181 = arith.constant 0 : i32
    %dma_wait3A_182 = arith.constant 0 : i32
    %dma_wait3A_183 = tpu.memref_slice %arg7[%dma_wait3A_180, %dma_wait3A_181, %dma_wait3A_182] : memref<4x128x128xf32, #tpu.memory_space<vmem>> -> memref<1x32x128xf32, #tpu.memory_space<vmem>>
    %dma_wait3A_184 = tpu.memref_squeeze %dma_wait3A_183 : memref<1x32x128xf32, #tpu.memory_space<vmem>> -> memref<32x128xf32, #tpu.memory_space<vmem>>
    %dma_wait3A_185 = arith.constant 0 : i32
    %dma_wait3A_186 = tpu.memref_slice %arg5[%add3A_92, %dma_wait3A_185] : memref<32768x128xf32, #tpu.memory_space<hbm>> -> memref<32x128xf32, #tpu.memory_space<hbm>>
    %dma_wait3A_187 = arith.constant 0 : i32
    %dma_wait3A_188 = tpu.memref_slice %arg5[%add3A_92, %dma_wait3A_187] : memref<32768x128xf32, #tpu.memory_space<hbm>> -> memref<32x128xf32, #tpu.memory_space<hbm>>
    %dma_wait3A_189 = arith.constant 0 : i32
    %dma_wait3A_190 = arith.constant 0 : i32
    %dma_wait3A_191 = tpu.memref_slice %arg7[%dma_wait3A_180, %dma_wait3A_189, %dma_wait3A_190] : memref<4x128x128xf32, #tpu.memory_space<vmem>> -> memref<1x32x128xf32, #tpu.memory_space<vmem>>
    %dma_wait3A_192 = tpu.memref_squeeze %dma_wait3A_191 : memref<1x32x128xf32, #tpu.memory_space<vmem>> -> memref<32x128xf32, #tpu.memory_space<vmem>>
    tpu.wait_dma2 semaphore(%arg17 : memref<!tpu.dma_semaphore, #tpu.memory_space<semaphore_mem>>) src(%dma_wait3A_192 : memref<32x128xf32, #tpu.memory_space<vmem>>) dst(%dma_wait3A_188 : memref<32x128xf32, #tpu.memory_space<hbm>>)
    %dma_start3A_193 = arith.constant 0 : i32
    %dma_start3A_194 = arith.constant 0 : i32
    %dma_start3A_195 = arith.constant 0 : i32
    %dma_start3A_196 = tpu.memref_slice %arg7[%dma_start3A_193, %dma_start3A_194, %dma_start3A_195] : memref<4x128x128xf32, #tpu.memory_space<vmem>> -> memref<1x128x128xf32, #tpu.memory_space<vmem>>
    %dma_start3A_197 = tpu.memref_squeeze %dma_start3A_196 : memref<1x128x128xf32, #tpu.memory_space<vmem>> -> memref<128x128xf32, #tpu.memory_space<vmem>>
    %dma_start3A_198 = arith.constant 384 : i32
    %dma_start3A_199 = tpu.memref_slice %arg6[%dma_start3A_198] : memref<1024xi32, #tpu.memory_space<vmem>> -> memref<128xi32, #tpu.memory_space<vmem>>
    %dma_start3A_200 = arith.constant 0 : i32
    %dma_start3A_201 = arith.constant 0 : i32
    %dma_start3A_202 = tpu.memref_slice %arg8[%dma_start3A_200, %dma_start3A_201] : memref<128x128xf32, #tpu.memory_space<vmem_shared>> -> memref<128x128xf32, #tpu.memory_space<vmem_shared>>
    tpu.enqueue_indirect_dma source(%dma_start3A_202 : memref<128x128xf32, #tpu.memory_space<vmem_shared>>) target(%dma_start3A_197 : memref<128x128xf32, #tpu.memory_space<vmem>>) offsets(%dma_start3A_199 : memref<128xi32, #tpu.memory_space<vmem>>) semaphore(%arg9 : memref<!tpu.dma_semaphore, #tpu.memory_space<semaphore_mem>>)
    %dma_wait3A_203 = arith.constant 2 : i32
    %dma_wait3A_204 = arith.constant 0 : i32
    %dma_wait3A_205 = arith.constant 0 : i32
    %dma_wait3A_206 = tpu.memref_slice %arg7[%dma_wait3A_203, %dma_wait3A_204, %dma_wait3A_205] : memref<4x128x128xf32, #tpu.memory_space<vmem>> -> memref<1x128x128xf32, #tpu.memory_space<vmem>>
    %dma_wait3A_207 = tpu.memref_squeeze %dma_wait3A_206 : memref<1x128x128xf32, #tpu.memory_space<vmem>> -> memref<128x128xf32, #tpu.memory_space<vmem>>
    %dma_wait3A_208 = arith.constant 128 : i32
    %dma_wait3A_209 = tpu.memref_slice %arg6[%dma_wait3A_208] : memref<1024xi32, #tpu.memory_space<vmem>> -> memref<128xi32, #tpu.memory_space<vmem>>
    %dma_wait3A_210 = arith.constant 0 : i32
    %dma_wait3A_211 = arith.constant 0 : i32
    %dma_wait3A_212 = tpu.memref_slice %arg8[%dma_wait3A_210, %dma_wait3A_211] : memref<128x128xf32, #tpu.memory_space<vmem_shared>> -> memref<128x128xf32, #tpu.memory_space<vmem_shared>>
    tpu.wait_indirect_dma semaphore(%arg11 : memref<!tpu.dma_semaphore, #tpu.memory_space<semaphore_mem>>) src(%dma_wait3A_212 : memref<128x128xf32, #tpu.memory_space<vmem_shared>>) dst(%dma_wait3A_207 : memref<128x128xf32, #tpu.memory_space<vmem>>)
    %add3A_213 = arith.constant 128 : i32
    %add3A_214 = arith.addi %mul3A_2, %add3A_213 : i32
    %dma_start3A_215 = arith.constant 2 : i32
    %dma_start3A_216 = arith.constant 0 : i32
    %dma_start3A_217 = arith.constant 0 : i32
    %dma_start3A_218 = tpu.memref_slice %arg7[%dma_start3A_215, %dma_start3A_216, %dma_start3A_217] : memref<4x128x128xf32, #tpu.memory_space<vmem>> -> memref<1x128x128xf32, #tpu.memory_space<vmem>>
    %dma_start3A_219 = tpu.memref_squeeze %dma_start3A_218 : memref<1x128x128xf32, #tpu.memory_space<vmem>> -> memref<128x128xf32, #tpu.memory_space<vmem>>
    %dma_start3A_220 = arith.constant 0 : i32
    %dma_start3A_221 = tpu.memref_slice %arg4[%add3A_214, %dma_start3A_220] : memref<32768x128xf32, #tpu.memory_space<hbm>> -> memref<128x128xf32, #tpu.memory_space<hbm>>
    %dma_start3A_222 = arith.constant 0 : i32
    %dma_start3A_223 = tpu.memref_slice %arg4[%add3A_214, %dma_start3A_222] : memref<32768x128xf32, #tpu.memory_space<hbm>> -> memref<128x128xf32, #tpu.memory_space<hbm>>
    %dma_start3A_224 = arith.constant 0 : i32
    %dma_start3A_225 = arith.constant 0 : i32
    %dma_start3A_226 = tpu.memref_slice %arg7[%dma_start3A_215, %dma_start3A_224, %dma_start3A_225] : memref<4x128x128xf32, #tpu.memory_space<vmem>> -> memref<1x128x128xf32, #tpu.memory_space<vmem>>
    %dma_start3A_227 = tpu.memref_squeeze %dma_start3A_226 : memref<1x128x128xf32, #tpu.memory_space<vmem>> -> memref<128x128xf32, #tpu.memory_space<vmem>>
    tpu.enqueue_dma source(%dma_start3A_227 : memref<128x128xf32, #tpu.memory_space<vmem>>) target(%dma_start3A_223 : memref<128x128xf32, #tpu.memory_space<hbm>>) target_semaphore(%arg15 : memref<!tpu.dma_semaphore, #tpu.memory_space<semaphore_mem>>)
    %dma_start3A_228 = arith.constant 2 : i32
    %dma_start3A_229 = arith.constant 0 : i32
    %dma_start3A_230 = arith.constant 0 : i32
    %dma_start3A_231 = tpu.memref_slice %arg7[%dma_start3A_228, %dma_start3A_229, %dma_start3A_230] : memref<4x128x128xf32, #tpu.memory_space<vmem>> -> memref<1x128x128xf32, #tpu.memory_space<vmem>>
    %dma_start3A_232 = tpu.memref_squeeze %dma_start3A_231 : memref<1x128x128xf32, #tpu.memory_space<vmem>> -> memref<128x128xf32, #tpu.memory_space<vmem>>
    %dma_start3A_233 = arith.constant 0 : i32
    %dma_start3A_234 = tpu.memref_slice %arg5[%add3A_214, %dma_start3A_233] : memref<32768x128xf32, #tpu.memory_space<hbm>> -> memref<128x128xf32, #tpu.memory_space<hbm>>
    %dma_start3A_235 = arith.constant 0 : i32
    %dma_start3A_236 = tpu.memref_slice %arg5[%add3A_214, %dma_start3A_235] : memref<32768x128xf32, #tpu.memory_space<hbm>> -> memref<128x128xf32, #tpu.memory_space<hbm>>
    %dma_start3A_237 = arith.constant 0 : i32
    %dma_start3A_238 = arith.constant 0 : i32
    %dma_start3A_239 = tpu.memref_slice %arg7[%dma_start3A_228, %dma_start3A_237, %dma_start3A_238] : memref<4x128x128xf32, #tpu.memory_space<vmem>> -> memref<1x128x128xf32, #tpu.memory_space<vmem>>
    %dma_start3A_240 = tpu.memref_squeeze %dma_start3A_239 : memref<1x128x128xf32, #tpu.memory_space<vmem>> -> memref<128x128xf32, #tpu.memory_space<vmem>>
    tpu.enqueue_dma source(%dma_start3A_240 : memref<128x128xf32, #tpu.memory_space<vmem>>) target(%dma_start3A_236 : memref<128x128xf32, #tpu.memory_space<hbm>>) target_semaphore(%arg19 : memref<!tpu.dma_semaphore, #tpu.memory_space<semaphore_mem>>)
    %dma_wait3A_241 = arith.constant 1 : i32
    %dma_wait3A_242 = arith.constant 0 : i32
    %dma_wait3A_243 = arith.constant 0 : i32
    %dma_wait3A_244 = tpu.memref_slice %arg7[%dma_wait3A_241, %dma_wait3A_242, %dma_wait3A_243] : memref<4x128x128xf32, #tpu.memory_space<vmem>> -> memref<1x96x128xf32, #tpu.memory_space<vmem>>
    %dma_wait3A_245 = tpu.memref_squeeze %dma_wait3A_244 : memref<1x96x128xf32, #tpu.memory_space<vmem>> -> memref<96x128xf32, #tpu.memory_space<vmem>>
    %dma_wait3A_246 = arith.constant 0 : i32
    %dma_wait3A_247 = tpu.memref_slice %arg4[%add3A_140, %dma_wait3A_246] : memref<32768x128xf32, #tpu.memory_space<hbm>> -> memref<96x128xf32, #tpu.memory_space<hbm>>
    %dma_wait3A_248 = arith.constant 0 : i32
    %dma_wait3A_249 = tpu.memref_slice %arg4[%add3A_140, %dma_wait3A_248] : memref<32768x128xf32, #tpu.memory_space<hbm>> -> memref<96x128xf32, #tpu.memory_space<hbm>>
    %dma_wait3A_250 = arith.constant 0 : i32
    %dma_wait3A_251 = arith.constant 0 : i32
    %dma_wait3A_252 = tpu.memref_slice %arg7[%dma_wait3A_241, %dma_wait3A_250, %dma_wait3A_251] : memref<4x128x128xf32, #tpu.memory_space<vmem>> -> memref<1x96x128xf32, #tpu.memory_space<vmem>>
    %dma_wait3A_253 = tpu.memref_squeeze %dma_wait3A_252 : memref<1x96x128xf32, #tpu.memory_space<vmem>> -> memref<96x128xf32, #tpu.memory_space<vmem>>
    tpu.wait_dma2 semaphore(%arg14 : memref<!tpu.dma_semaphore, #tpu.memory_space<semaphore_mem>>) src(%dma_wait3A_253 : memref<96x128xf32, #tpu.memory_space<vmem>>) dst(%dma_wait3A_249 : memref<96x128xf32, #tpu.memory_space<hbm>>)
    %dma_wait3A_254 = arith.constant 1 : i32
    %dma_wait3A_255 = arith.constant 0 : i32
    %dma_wait3A_256 = arith.constant 0 : i32
    %dma_wait3A_257 = tpu.memref_slice %arg7[%dma_wait3A_254, %dma_wait3A_255, %dma_wait3A_256] : memref<4x128x128xf32, #tpu.memory_space<vmem>> -> memref<1x96x128xf32, #tpu.memory_space<vmem>>
    %dma_wait3A_258 = tpu.memref_squeeze %dma_wait3A_257 : memref<1x96x128xf32, #tpu.memory_space<vmem>> -> memref<96x128xf32, #tpu.memory_space<vmem>>
    %dma_wait3A_259 = arith.constant 0 : i32
    %dma_wait3A_260 = tpu.memref_slice %arg5[%add3A_140, %dma_wait3A_259] : memref<32768x128xf32, #tpu.memory_space<hbm>> -> memref<96x128xf32, #tpu.memory_space<hbm>>
    %dma_wait3A_261 = arith.constant 0 : i32
    %dma_wait3A_262 = tpu.memref_slice %arg5[%add3A_140, %dma_wait3A_261] : memref<32768x128xf32, #tpu.memory_space<hbm>> -> memref<96x128xf32, #tpu.memory_space<hbm>>
    %dma_wait3A_263 = arith.constant 0 : i32
    %dma_wait3A_264 = arith.constant 0 : i32
    %dma_wait3A_265 = tpu.memref_slice %arg7[%dma_wait3A_254, %dma_wait3A_263, %dma_wait3A_264] : memref<4x128x128xf32, #tpu.memory_space<vmem>> -> memref<1x96x128xf32, #tpu.memory_space<vmem>>
    %dma_wait3A_266 = tpu.memref_squeeze %dma_wait3A_265 : memref<1x96x128xf32, #tpu.memory_space<vmem>> -> memref<96x128xf32, #tpu.memory_space<vmem>>
    tpu.wait_dma2 semaphore(%arg18 : memref<!tpu.dma_semaphore, #tpu.memory_space<semaphore_mem>>) src(%dma_wait3A_266 : memref<96x128xf32, #tpu.memory_space<vmem>>) dst(%dma_wait3A_262 : memref<96x128xf32, #tpu.memory_space<hbm>>)
    %dma_start3A_267 = arith.constant 1 : i32
    %dma_start3A_268 = arith.constant 0 : i32
    %dma_start3A_269 = arith.constant 0 : i32
    %dma_start3A_270 = tpu.memref_slice %arg7[%dma_start3A_267, %dma_start3A_268, %dma_start3A_269] : memref<4x128x128xf32, #tpu.memory_space<vmem>> -> memref<1x128x128xf32, #tpu.memory_space<vmem>>
    %dma_start3A_271 = tpu.memref_squeeze %dma_start3A_270 : memref<1x128x128xf32, #tpu.memory_space<vmem>> -> memref<128x128xf32, #tpu.memory_space<vmem>>
    %dma_start3A_272 = arith.constant 512 : i32
    %dma_start3A_273 = tpu.memref_slice %arg6[%dma_start3A_272] : memref<1024xi32, #tpu.memory_space<vmem>> -> memref<128xi32, #tpu.memory_space<vmem>>
    %dma_start3A_274 = arith.constant 0 : i32
    %dma_start3A_275 = arith.constant 0 : i32
    %dma_start3A_276 = tpu.memref_slice %arg8[%dma_start3A_274, %dma_start3A_275] : memref<128x128xf32, #tpu.memory_space<vmem_shared>> -> memref<128x128xf32, #tpu.memory_space<vmem_shared>>
    tpu.enqueue_indirect_dma source(%dma_start3A_276 : memref<128x128xf32, #tpu.memory_space<vmem_shared>>) target(%dma_start3A_271 : memref<128x128xf32, #tpu.memory_space<vmem>>) offsets(%dma_start3A_273 : memref<128xi32, #tpu.memory_space<vmem>>) semaphore(%arg10 : memref<!tpu.dma_semaphore, #tpu.memory_space<semaphore_mem>>)
    %dma_wait3A_277 = arith.constant 3 : i32
    %dma_wait3A_278 = arith.constant 0 : i32
    %dma_wait3A_279 = arith.constant 0 : i32
    %dma_wait3A_280 = tpu.memref_slice %arg7[%dma_wait3A_277, %dma_wait3A_278, %dma_wait3A_279] : memref<4x128x128xf32, #tpu.memory_space<vmem>> -> memref<1x128x128xf32, #tpu.memory_space<vmem>>
    %dma_wait3A_281 = tpu.memref_squeeze %dma_wait3A_280 : memref<1x128x128xf32, #tpu.memory_space<vmem>> -> memref<128x128xf32, #tpu.memory_space<vmem>>
    %dma_wait3A_282 = arith.constant 256 : i32
    %dma_wait3A_283 = tpu.memref_slice %arg6[%dma_wait3A_282] : memref<1024xi32, #tpu.memory_space<vmem>> -> memref<128xi32, #tpu.memory_space<vmem>>
    %dma_wait3A_284 = arith.constant 0 : i32
    %dma_wait3A_285 = arith.constant 0 : i32
    %dma_wait3A_286 = tpu.memref_slice %arg8[%dma_wait3A_284, %dma_wait3A_285] : memref<128x128xf32, #tpu.memory_space<vmem_shared>> -> memref<128x128xf32, #tpu.memory_space<vmem_shared>>
    tpu.wait_indirect_dma semaphore(%arg12 : memref<!tpu.dma_semaphore, #tpu.memory_space<semaphore_mem>>) src(%dma_wait3A_286 : memref<128x128xf32, #tpu.memory_space<vmem_shared>>) dst(%dma_wait3A_281 : memref<128x128xf32, #tpu.memory_space<vmem>>)
    %add3A_287 = arith.constant 256 : i32
    %add3A_288 = arith.addi %mul3A_2, %add3A_287 : i32
    %dma_start3A_289 = arith.constant 3 : i32
    %dma_start3A_290 = arith.constant 0 : i32
    %dma_start3A_291 = arith.constant 0 : i32
    %dma_start3A_292 = tpu.memref_slice %arg7[%dma_start3A_289, %dma_start3A_290, %dma_start3A_291] : memref<4x128x128xf32, #tpu.memory_space<vmem>> -> memref<1x128x128xf32, #tpu.memory_space<vmem>>
    %dma_start3A_293 = tpu.memref_squeeze %dma_start3A_292 : memref<1x128x128xf32, #tpu.memory_space<vmem>> -> memref<128x128xf32, #tpu.memory_space<vmem>>
    %dma_start3A_294 = arith.constant 0 : i32
    %dma_start3A_295 = tpu.memref_slice %arg4[%add3A_288, %dma_start3A_294] : memref<32768x128xf32, #tpu.memory_space<hbm>> -> memref<128x128xf32, #tpu.memory_space<hbm>>
    %dma_start3A_296 = arith.constant 0 : i32
    %dma_start3A_297 = tpu.memref_slice %arg4[%add3A_288, %dma_start3A_296] : memref<32768x128xf32, #tpu.memory_space<hbm>> -> memref<128x128xf32, #tpu.memory_space<hbm>>
    %dma_start3A_298 = arith.constant 0 : i32
    %dma_start3A_299 = arith.constant 0 : i32
    %dma_start3A_300 = tpu.memref_slice %arg7[%dma_start3A_289, %dma_start3A_298, %dma_start3A_299] : memref<4x128x128xf32, #tpu.memory_space<vmem>> -> memref<1x128x128xf32, #tpu.memory_space<vmem>>
    %dma_start3A_301 = tpu.memref_squeeze %dma_start3A_300 : memref<1x128x128xf32, #tpu.memory_space<vmem>> -> memref<128x128xf32, #tpu.memory_space<vmem>>
    tpu.enqueue_dma source(%dma_start3A_301 : memref<128x128xf32, #tpu.memory_space<vmem>>) target(%dma_start3A_297 : memref<128x128xf32, #tpu.memory_space<hbm>>) target_semaphore(%arg16 : memref<!tpu.dma_semaphore, #tpu.memory_space<semaphore_mem>>)
    %dma_start3A_302 = arith.constant 3 : i32
    %dma_start3A_303 = arith.constant 0 : i32
    %dma_start3A_304 = arith.constant 0 : i32
    %dma_start3A_305 = tpu.memref_slice %arg7[%dma_start3A_302, %dma_start3A_303, %dma_start3A_304] : memref<4x128x128xf32, #tpu.memory_space<vmem>> -> memref<1x128x128xf32, #tpu.memory_space<vmem>>
    %dma_start3A_306 = tpu.memref_squeeze %dma_start3A_305 : memref<1x128x128xf32, #tpu.memory_space<vmem>> -> memref<128x128xf32, #tpu.memory_space<vmem>>
    %dma_start3A_307 = arith.constant 0 : i32
    %dma_start3A_308 = tpu.memref_slice %arg5[%add3A_288, %dma_start3A_307] : memref<32768x128xf32, #tpu.memory_space<hbm>> -> memref<128x128xf32, #tpu.memory_space<hbm>>
    %dma_start3A_309 = arith.constant 0 : i32
    %dma_start3A_310 = tpu.memref_slice %arg5[%add3A_288, %dma_start3A_309] : memref<32768x128xf32, #tpu.memory_space<hbm>> -> memref<128x128xf32, #tpu.memory_space<hbm>>
    %dma_start3A_311 = arith.constant 0 : i32
    %dma_start3A_312 = arith.constant 0 : i32
    %dma_start3A_313 = tpu.memref_slice %arg7[%dma_start3A_302, %dma_start3A_311, %dma_start3A_312] : memref<4x128x128xf32, #tpu.memory_space<vmem>> -> memref<1x128x128xf32, #tpu.memory_space<vmem>>
    %dma_start3A_314 = tpu.memref_squeeze %dma_start3A_313 : memref<1x128x128xf32, #tpu.memory_space<vmem>> -> memref<128x128xf32, #tpu.memory_space<vmem>>
    tpu.enqueue_dma source(%dma_start3A_314 : memref<128x128xf32, #tpu.memory_space<vmem>>) target(%dma_start3A_310 : memref<128x128xf32, #tpu.memory_space<hbm>>) target_semaphore(%arg20 : memref<!tpu.dma_semaphore, #tpu.memory_space<semaphore_mem>>)
    %dma_wait3A_315 = arith.constant 2 : i32
    %dma_wait3A_316 = arith.constant 0 : i32
    %dma_wait3A_317 = arith.constant 0 : i32
    %dma_wait3A_318 = tpu.memref_slice %arg7[%dma_wait3A_315, %dma_wait3A_316, %dma_wait3A_317] : memref<4x128x128xf32, #tpu.memory_space<vmem>> -> memref<1x128x128xf32, #tpu.memory_space<vmem>>
    %dma_wait3A_319 = tpu.memref_squeeze %dma_wait3A_318 : memref<1x128x128xf32, #tpu.memory_space<vmem>> -> memref<128x128xf32, #tpu.memory_space<vmem>>
    %dma_wait3A_320 = arith.constant 0 : i32
    %dma_wait3A_321 = tpu.memref_slice %arg4[%add3A_214, %dma_wait3A_320] : memref<32768x128xf32, #tpu.memory_space<hbm>> -> memref<128x128xf32, #tpu.memory_space<hbm>>
    %dma_wait3A_322 = arith.constant 0 : i32
    %dma_wait3A_323 = tpu.memref_slice %arg4[%add3A_214, %dma_wait3A_322] : memref<32768x128xf32, #tpu.memory_space<hbm>> -> memref<128x128xf32, #tpu.memory_space<hbm>>
    %dma_wait3A_324 = arith.constant 0 : i32
    %dma_wait3A_325 = arith.constant 0 : i32
    %dma_wait3A_326 = tpu.memref_slice %arg7[%dma_wait3A_315, %dma_wait3A_324, %dma_wait3A_325] : memref<4x128x128xf32, #tpu.memory_space<vmem>> -> memref<1x128x128xf32, #tpu.memory_space<vmem>>
    %dma_wait3A_327 = tpu.memref_squeeze %dma_wait3A_326 : memref<1x128x128xf32, #tpu.memory_space<vmem>> -> memref<128x128xf32, #tpu.memory_space<vmem>>
    tpu.wait_dma2 semaphore(%arg15 : memref<!tpu.dma_semaphore, #tpu.memory_space<semaphore_mem>>) src(%dma_wait3A_327 : memref<128x128xf32, #tpu.memory_space<vmem>>) dst(%dma_wait3A_323 : memref<128x128xf32, #tpu.memory_space<hbm>>)
    %dma_wait3A_328 = arith.constant 2 : i32
    %dma_wait3A_329 = arith.constant 0 : i32
    %dma_wait3A_330 = arith.constant 0 : i32
    %dma_wait3A_331 = tpu.memref_slice %arg7[%dma_wait3A_328, %dma_wait3A_329, %dma_wait3A_330] : memref<4x128x128xf32, #tpu.memory_space<vmem>> -> memref<1x128x128xf32, #tpu.memory_space<vmem>>
    %dma_wait3A_332 = tpu.memref_squeeze %dma_wait3A_331 : memref<1x128x128xf32, #tpu.memory_space<vmem>> -> memref<128x128xf32, #tpu.memory_space<vmem>>
    %dma_wait3A_333 = arith.constant 0 : i32
    %dma_wait3A_334 = tpu.memref_slice %arg5[%add3A_214, %dma_wait3A_333] : memref<32768x128xf32, #tpu.memory_space<hbm>> -> memref<128x128xf32, #tpu.memory_space<hbm>>
    %dma_wait3A_335 = arith.constant 0 : i32
    %dma_wait3A_336 = tpu.memref_slice %arg5[%add3A_214, %dma_wait3A_335] : memref<32768x128xf32, #tpu.memory_space<hbm>> -> memref<128x128xf32, #tpu.memory_space<hbm>>
    %dma_wait3A_337 = arith.constant 0 : i32
    %dma_wait3A_338 = arith.constant 0 : i32
    %dma_wait3A_339 = tpu.memref_slice %arg7[%dma_wait3A_328, %dma_wait3A_337, %dma_wait3A_338] : memref<4x128x128xf32, #tpu.memory_space<vmem>> -> memref<1x128x128xf32, #tpu.memory_space<vmem>>
    %dma_wait3A_340 = tpu.memref_squeeze %dma_wait3A_339 : memref<1x128x128xf32, #tpu.memory_space<vmem>> -> memref<128x128xf32, #tpu.memory_space<vmem>>
    tpu.wait_dma2 semaphore(%arg19 : memref<!tpu.dma_semaphore, #tpu.memory_space<semaphore_mem>>) src(%dma_wait3A_340 : memref<128x128xf32, #tpu.memory_space<vmem>>) dst(%dma_wait3A_336 : memref<128x128xf32, #tpu.memory_space<hbm>>)
    %dma_start3A_341 = arith.constant 2 : i32
    %dma_start3A_342 = arith.constant 0 : i32
    %dma_start3A_343 = arith.constant 0 : i32
    %dma_start3A_344 = tpu.memref_slice %arg7[%dma_start3A_341, %dma_start3A_342, %dma_start3A_343] : memref<4x128x128xf32, #tpu.memory_space<vmem>> -> memref<1x128x128xf32, #tpu.memory_space<vmem>>
    %dma_start3A_345 = tpu.memref_squeeze %dma_start3A_344 : memref<1x128x128xf32, #tpu.memory_space<vmem>> -> memref<128x128xf32, #tpu.memory_space<vmem>>
    %dma_start3A_346 = arith.constant 640 : i32
    %dma_start3A_347 = tpu.memref_slice %arg6[%dma_start3A_346] : memref<1024xi32, #tpu.memory_space<vmem>> -> memref<128xi32, #tpu.memory_space<vmem>>
    %dma_start3A_348 = arith.constant 0 : i32
    %dma_start3A_349 = arith.constant 0 : i32
    %dma_start3A_350 = tpu.memref_slice %arg8[%dma_start3A_348, %dma_start3A_349] : memref<128x128xf32, #tpu.memory_space<vmem_shared>> -> memref<128x128xf32, #tpu.memory_space<vmem_shared>>
    tpu.enqueue_indirect_dma source(%dma_start3A_350 : memref<128x128xf32, #tpu.memory_space<vmem_shared>>) target(%dma_start3A_345 : memref<128x128xf32, #tpu.memory_space<vmem>>) offsets(%dma_start3A_347 : memref<128xi32, #tpu.memory_space<vmem>>) semaphore(%arg11 : memref<!tpu.dma_semaphore, #tpu.memory_space<semaphore_mem>>)
    %dma_wait3A_351 = arith.constant 0 : i32
    %dma_wait3A_352 = arith.constant 0 : i32
    %dma_wait3A_353 = arith.constant 0 : i32
    %dma_wait3A_354 = tpu.memref_slice %arg7[%dma_wait3A_351, %dma_wait3A_352, %dma_wait3A_353] : memref<4x128x128xf32, #tpu.memory_space<vmem>> -> memref<1x128x128xf32, #tpu.memory_space<vmem>>
    %dma_wait3A_355 = tpu.memref_squeeze %dma_wait3A_354 : memref<1x128x128xf32, #tpu.memory_space<vmem>> -> memref<128x128xf32, #tpu.memory_space<vmem>>
    %dma_wait3A_356 = arith.constant 384 : i32
    %dma_wait3A_357 = tpu.memref_slice %arg6[%dma_wait3A_356] : memref<1024xi32, #tpu.memory_space<vmem>> -> memref<128xi32, #tpu.memory_space<vmem>>
    %dma_wait3A_358 = arith.constant 0 : i32
    %dma_wait3A_359 = arith.constant 0 : i32
    %dma_wait3A_360 = tpu.memref_slice %arg8[%dma_wait3A_358, %dma_wait3A_359] : memref<128x128xf32, #tpu.memory_space<vmem_shared>> -> memref<128x128xf32, #tpu.memory_space<vmem_shared>>
    tpu.wait_indirect_dma semaphore(%arg9 : memref<!tpu.dma_semaphore, #tpu.memory_space<semaphore_mem>>) src(%dma_wait3A_360 : memref<128x128xf32, #tpu.memory_space<vmem_shared>>) dst(%dma_wait3A_355 : memref<128x128xf32, #tpu.memory_space<vmem>>)
    %add3A_361 = arith.constant 384 : i32
    %add3A_362 = arith.addi %mul3A_2, %add3A_361 : i32
    %dma_start3A_363 = arith.constant 0 : i32
    %dma_start3A_364 = arith.constant 0 : i32
    %dma_start3A_365 = arith.constant 0 : i32
    %dma_start3A_366 = tpu.memref_slice %arg7[%dma_start3A_363, %dma_start3A_364, %dma_start3A_365] : memref<4x128x128xf32, #tpu.memory_space<vmem>> -> memref<1x128x128xf32, #tpu.memory_space<vmem>>
    %dma_start3A_367 = tpu.memref_squeeze %dma_start3A_366 : memref<1x128x128xf32, #tpu.memory_space<vmem>> -> memref<128x128xf32, #tpu.memory_space<vmem>>
    %dma_start3A_368 = arith.constant 0 : i32
    %dma_start3A_369 = tpu.memref_slice %arg4[%add3A_362, %dma_start3A_368] : memref<32768x128xf32, #tpu.memory_space<hbm>> -> memref<128x128xf32, #tpu.memory_space<hbm>>
    %dma_start3A_370 = arith.constant 0 : i32
    %dma_start3A_371 = tpu.memref_slice %arg4[%add3A_362, %dma_start3A_370] : memref<32768x128xf32, #tpu.memory_space<hbm>> -> memref<128x128xf32, #tpu.memory_space<hbm>>
    %dma_start3A_372 = arith.constant 0 : i32
    %dma_start3A_373 = arith.constant 0 : i32
    %dma_start3A_374 = tpu.memref_slice %arg7[%dma_start3A_363, %dma_start3A_372, %dma_start3A_373] : memref<4x128x128xf32, #tpu.memory_space<vmem>> -> memref<1x128x128xf32, #tpu.memory_space<vmem>>
    %dma_start3A_375 = tpu.memref_squeeze %dma_start3A_374 : memref<1x128x128xf32, #tpu.memory_space<vmem>> -> memref<128x128xf32, #tpu.memory_space<vmem>>
    tpu.enqueue_dma source(%dma_start3A_375 : memref<128x128xf32, #tpu.memory_space<vmem>>) target(%dma_start3A_371 : memref<128x128xf32, #tpu.memory_space<hbm>>) target_semaphore(%arg13 : memref<!tpu.dma_semaphore, #tpu.memory_space<semaphore_mem>>)
    %dma_start3A_376 = arith.constant 0 : i32
    %dma_start3A_377 = arith.constant 0 : i32
    %dma_start3A_378 = arith.constant 0 : i32
    %dma_start3A_379 = tpu.memref_slice %arg7[%dma_start3A_376, %dma_start3A_377, %dma_start3A_378] : memref<4x128x128xf32, #tpu.memory_space<vmem>> -> memref<1x128x128xf32, #tpu.memory_space<vmem>>
    %dma_start3A_380 = tpu.memref_squeeze %dma_start3A_379 : memref<1x128x128xf32, #tpu.memory_space<vmem>> -> memref<128x128xf32, #tpu.memory_space<vmem>>
    %dma_start3A_381 = arith.constant 0 : i32
    %dma_start3A_382 = tpu.memref_slice %arg5[%add3A_362, %dma_start3A_381] : memref<32768x128xf32, #tpu.memory_space<hbm>> -> memref<128x128xf32, #tpu.memory_space<hbm>>
    %dma_start3A_383 = arith.constant 0 : i32
    %dma_start3A_384 = tpu.memref_slice %arg5[%add3A_362, %dma_start3A_383] : memref<32768x128xf32, #tpu.memory_space<hbm>> -> memref<128x128xf32, #tpu.memory_space<hbm>>
    %dma_start3A_385 = arith.constant 0 : i32
    %dma_start3A_386 = arith.constant 0 : i32
    %dma_start3A_387 = tpu.memref_slice %arg7[%dma_start3A_376, %dma_start3A_385, %dma_start3A_386] : memref<4x128x128xf32, #tpu.memory_space<vmem>> -> memref<1x128x128xf32, #tpu.memory_space<vmem>>
    %dma_start3A_388 = tpu.memref_squeeze %dma_start3A_387 : memref<1x128x128xf32, #tpu.memory_space<vmem>> -> memref<128x128xf32, #tpu.memory_space<vmem>>
    tpu.enqueue_dma source(%dma_start3A_388 : memref<128x128xf32, #tpu.memory_space<vmem>>) target(%dma_start3A_384 : memref<128x128xf32, #tpu.memory_space<hbm>>) target_semaphore(%arg17 : memref<!tpu.dma_semaphore, #tpu.memory_space<semaphore_mem>>)
    %dma_wait3A_389 = arith.constant 3 : i32
    %dma_wait3A_390 = arith.constant 0 : i32
    %dma_wait3A_391 = arith.constant 0 : i32
    %dma_wait3A_392 = tpu.memref_slice %arg7[%dma_wait3A_389, %dma_wait3A_390, %dma_wait3A_391] : memref<4x128x128xf32, #tpu.memory_space<vmem>> -> memref<1x128x128xf32, #tpu.memory_space<vmem>>
    %dma_wait3A_393 = tpu.memref_squeeze %dma_wait3A_392 : memref<1x128x128xf32, #tpu.memory_space<vmem>> -> memref<128x128xf32, #tpu.memory_space<vmem>>
    %dma_wait3A_394 = arith.constant 0 : i32
    %dma_wait3A_395 = tpu.memref_slice %arg4[%add3A_288, %dma_wait3A_394] : memref<32768x128xf32, #tpu.memory_space<hbm>> -> memref<128x128xf32, #tpu.memory_space<hbm>>
    %dma_wait3A_396 = arith.constant 0 : i32
    %dma_wait3A_397 = tpu.memref_slice %arg4[%add3A_288, %dma_wait3A_396] : memref<32768x128xf32, #tpu.memory_space<hbm>> -> memref<128x128xf32, #tpu.memory_space<hbm>>
    %dma_wait3A_398 = arith.constant 0 : i32
    %dma_wait3A_399 = arith.constant 0 : i32
    %dma_wait3A_400 = tpu.memref_slice %arg7[%dma_wait3A_389, %dma_wait3A_398, %dma_wait3A_399] : memref<4x128x128xf32, #tpu.memory_space<vmem>> -> memref<1x128x128xf32, #tpu.memory_space<vmem>>
    %dma_wait3A_401 = tpu.memref_squeeze %dma_wait3A_400 : memref<1x128x128xf32, #tpu.memory_space<vmem>> -> memref<128x128xf32, #tpu.memory_space<vmem>>
    tpu.wait_dma2 semaphore(%arg16 : memref<!tpu.dma_semaphore, #tpu.memory_space<semaphore_mem>>) src(%dma_wait3A_401 : memref<128x128xf32, #tpu.memory_space<vmem>>) dst(%dma_wait3A_397 : memref<128x128xf32, #tpu.memory_space<hbm>>)
    %dma_wait3A_402 = arith.constant 3 : i32
    %dma_wait3A_403 = arith.constant 0 : i32
    %dma_wait3A_404 = arith.constant 0 : i32
    %dma_wait3A_405 = tpu.memref_slice %arg7[%dma_wait3A_402, %dma_wait3A_403, %dma_wait3A_404] : memref<4x128x128xf32, #tpu.memory_space<vmem>> -> memref<1x128x128xf32, #tpu.memory_space<vmem>>
    %dma_wait3A_406 = tpu.memref_squeeze %dma_wait3A_405 : memref<1x128x128xf32, #tpu.memory_space<vmem>> -> memref<128x128xf32, #tpu.memory_space<vmem>>
    %dma_wait3A_407 = arith.constant 0 : i32
    %dma_wait3A_408 = tpu.memref_slice %arg5[%add3A_288, %dma_wait3A_407] : memref<32768x128xf32, #tpu.memory_space<hbm>> -> memref<128x128xf32, #tpu.memory_space<hbm>>
    %dma_wait3A_409 = arith.constant 0 : i32
    %dma_wait3A_410 = tpu.memref_slice %arg5[%add3A_288, %dma_wait3A_409] : memref<32768x128xf32, #tpu.memory_space<hbm>> -> memref<128x128xf32, #tpu.memory_space<hbm>>
    %dma_wait3A_411 = arith.constant 0 : i32
    %dma_wait3A_412 = arith.constant 0 : i32
    %dma_wait3A_413 = tpu.memref_slice %arg7[%dma_wait3A_402, %dma_wait3A_411, %dma_wait3A_412] : memref<4x128x128xf32, #tpu.memory_space<vmem>> -> memref<1x128x128xf32, #tpu.memory_space<vmem>>
    %dma_wait3A_414 = tpu.memref_squeeze %dma_wait3A_413 : memref<1x128x128xf32, #tpu.memory_space<vmem>> -> memref<128x128xf32, #tpu.memory_space<vmem>>
    tpu.wait_dma2 semaphore(%arg20 : memref<!tpu.dma_semaphore, #tpu.memory_space<semaphore_mem>>) src(%dma_wait3A_414 : memref<128x128xf32, #tpu.memory_space<vmem>>) dst(%dma_wait3A_410 : memref<128x128xf32, #tpu.memory_space<hbm>>)
    %dma_start3A_415 = arith.constant 3 : i32
    %dma_start3A_416 = arith.constant 0 : i32
    %dma_start3A_417 = arith.constant 0 : i32
    %dma_start3A_418 = tpu.memref_slice %arg7[%dma_start3A_415, %dma_start3A_416, %dma_start3A_417] : memref<4x128x128xf32, #tpu.memory_space<vmem>> -> memref<1x128x128xf32, #tpu.memory_space<vmem>>
    %dma_start3A_419 = tpu.memref_squeeze %dma_start3A_418 : memref<1x128x128xf32, #tpu.memory_space<vmem>> -> memref<128x128xf32, #tpu.memory_space<vmem>>
    %dma_start3A_420 = arith.constant 768 : i32
    %dma_start3A_421 = tpu.memref_slice %arg6[%dma_start3A_420] : memref<1024xi32, #tpu.memory_space<vmem>> -> memref<128xi32, #tpu.memory_space<vmem>>
    %dma_start3A_422 = arith.constant 0 : i32
    %dma_start3A_423 = arith.constant 0 : i32
    %dma_start3A_424 = tpu.memref_slice %arg8[%dma_start3A_422, %dma_start3A_423] : memref<128x128xf32, #tpu.memory_space<vmem_shared>> -> memref<128x128xf32, #tpu.memory_space<vmem_shared>>
    tpu.enqueue_indirect_dma source(%dma_start3A_424 : memref<128x128xf32, #tpu.memory_space<vmem_shared>>) target(%dma_start3A_419 : memref<128x128xf32, #tpu.memory_space<vmem>>) offsets(%dma_start3A_421 : memref<128xi32, #tpu.memory_space<vmem>>) semaphore(%arg12 : memref<!tpu.dma_semaphore, #tpu.memory_space<semaphore_mem>>)
    %dma_wait3A_425 = arith.constant 1 : i32
    %dma_wait3A_426 = arith.constant 0 : i32
    %dma_wait3A_427 = arith.constant 0 : i32
    %dma_wait3A_428 = tpu.memref_slice %arg7[%dma_wait3A_425, %dma_wait3A_426, %dma_wait3A_427] : memref<4x128x128xf32, #tpu.memory_space<vmem>> -> memref<1x128x128xf32, #tpu.memory_space<vmem>>
    %dma_wait3A_429 = tpu.memref_squeeze %dma_wait3A_428 : memref<1x128x128xf32, #tpu.memory_space<vmem>> -> memref<128x128xf32, #tpu.memory_space<vmem>>
    %dma_wait3A_430 = arith.constant 512 : i32
    %dma_wait3A_431 = tpu.memref_slice %arg6[%dma_wait3A_430] : memref<1024xi32, #tpu.memory_space<vmem>> -> memref<128xi32, #tpu.memory_space<vmem>>
    %dma_wait3A_432 = arith.constant 0 : i32
    %dma_wait3A_433 = arith.constant 0 : i32
    %dma_wait3A_434 = tpu.memref_slice %arg8[%dma_wait3A_432, %dma_wait3A_433] : memref<128x128xf32, #tpu.memory_space<vmem_shared>> -> memref<128x128xf32, #tpu.memory_space<vmem_shared>>
    tpu.wait_indirect_dma semaphore(%arg10 : memref<!tpu.dma_semaphore, #tpu.memory_space<semaphore_mem>>) src(%dma_wait3A_434 : memref<128x128xf32, #tpu.memory_space<vmem_shared>>) dst(%dma_wait3A_429 : memref<128x128xf32, #tpu.memory_space<vmem>>)
    %add3A_435 = arith.constant 512 : i32
    %add3A_436 = arith.addi %mul3A_2, %add3A_435 : i32
    %dma_start3A_437 = arith.constant 1 : i32
    %dma_start3A_438 = arith.constant 0 : i32
    %dma_start3A_439 = arith.constant 0 : i32
    %dma_start3A_440 = tpu.memref_slice %arg7[%dma_start3A_437, %dma_start3A_438, %dma_start3A_439] : memref<4x128x128xf32, #tpu.memory_space<vmem>> -> memref<1x128x128xf32, #tpu.memory_space<vmem>>
    %dma_start3A_441 = tpu.memref_squeeze %dma_start3A_440 : memref<1x128x128xf32, #tpu.memory_space<vmem>> -> memref<128x128xf32, #tpu.memory_space<vmem>>
    %dma_start3A_442 = arith.constant 0 : i32
    %dma_start3A_443 = tpu.memref_slice %arg4[%add3A_436, %dma_start3A_442] : memref<32768x128xf32, #tpu.memory_space<hbm>> -> memref<128x128xf32, #tpu.memory_space<hbm>>
    %dma_start3A_444 = arith.constant 0 : i32
    %dma_start3A_445 = tpu.memref_slice %arg4[%add3A_436, %dma_start3A_444] : memref<32768x128xf32, #tpu.memory_space<hbm>> -> memref<128x128xf32, #tpu.memory_space<hbm>>
    %dma_start3A_446 = arith.constant 0 : i32
    %dma_start3A_447 = arith.constant 0 : i32
    %dma_start3A_448 = tpu.memref_slice %arg7[%dma_start3A_437, %dma_start3A_446, %dma_start3A_447] : memref<4x128x128xf32, #tpu.memory_space<vmem>> -> memref<1x128x128xf32, #tpu.memory_space<vmem>>
    %dma_start3A_449 = tpu.memref_squeeze %dma_start3A_448 : memref<1x128x128xf32, #tpu.memory_space<vmem>> -> memref<128x128xf32, #tpu.memory_space<vmem>>
    tpu.enqueue_dma source(%dma_start3A_449 : memref<128x128xf32, #tpu.memory_space<vmem>>) target(%dma_start3A_445 : memref<128x128xf32, #tpu.memory_space<hbm>>) target_semaphore(%arg14 : memref<!tpu.dma_semaphore, #tpu.memory_space<semaphore_mem>>)
    %dma_start3A_450 = arith.constant 1 : i32
    %dma_start3A_451 = arith.constant 0 : i32
    %dma_start3A_452 = arith.constant 0 : i32
    %dma_start3A_453 = tpu.memref_slice %arg7[%dma_start3A_450, %dma_start3A_451, %dma_start3A_452] : memref<4x128x128xf32, #tpu.memory_space<vmem>> -> memref<1x128x128xf32, #tpu.memory_space<vmem>>
    %dma_start3A_454 = tpu.memref_squeeze %dma_start3A_453 : memref<1x128x128xf32, #tpu.memory_space<vmem>> -> memref<128x128xf32, #tpu.memory_space<vmem>>
    %dma_start3A_455 = arith.constant 0 : i32
    %dma_start3A_456 = tpu.memref_slice %arg5[%add3A_436, %dma_start3A_455] : memref<32768x128xf32, #tpu.memory_space<hbm>> -> memref<128x128xf32, #tpu.memory_space<hbm>>
    %dma_start3A_457 = arith.constant 0 : i32
    %dma_start3A_458 = tpu.memref_slice %arg5[%add3A_436, %dma_start3A_457] : memref<32768x128xf32, #tpu.memory_space<hbm>> -> memref<128x128xf32, #tpu.memory_space<hbm>>
    %dma_start3A_459 = arith.constant 0 : i32
    %dma_start3A_460 = arith.constant 0 : i32
    %dma_start3A_461 = tpu.memref_slice %arg7[%dma_start3A_450, %dma_start3A_459, %dma_start3A_460] : memref<4x128x128xf32, #tpu.memory_space<vmem>> -> memref<1x128x128xf32, #tpu.memory_space<vmem>>
    %dma_start3A_462 = tpu.memref_squeeze %dma_start3A_461 : memref<1x128x128xf32, #tpu.memory_space<vmem>> -> memref<128x128xf32, #tpu.memory_space<vmem>>
    tpu.enqueue_dma source(%dma_start3A_462 : memref<128x128xf32, #tpu.memory_space<vmem>>) target(%dma_start3A_458 : memref<128x128xf32, #tpu.memory_space<hbm>>) target_semaphore(%arg18 : memref<!tpu.dma_semaphore, #tpu.memory_space<semaphore_mem>>)
    %dma_wait3A_463 = arith.constant 0 : i32
    %dma_wait3A_464 = arith.constant 0 : i32
    %dma_wait3A_465 = arith.constant 0 : i32
    %dma_wait3A_466 = tpu.memref_slice %arg7[%dma_wait3A_463, %dma_wait3A_464, %dma_wait3A_465] : memref<4x128x128xf32, #tpu.memory_space<vmem>> -> memref<1x128x128xf32, #tpu.memory_space<vmem>>
    %dma_wait3A_467 = tpu.memref_squeeze %dma_wait3A_466 : memref<1x128x128xf32, #tpu.memory_space<vmem>> -> memref<128x128xf32, #tpu.memory_space<vmem>>
    %dma_wait3A_468 = arith.constant 0 : i32
    %dma_wait3A_469 = tpu.memref_slice %arg4[%add3A_362, %dma_wait3A_468] : memref<32768x128xf32, #tpu.memory_space<hbm>> -> memref<128x128xf32, #tpu.memory_space<hbm>>
    %dma_wait3A_470 = arith.constant 0 : i32
    %dma_wait3A_471 = tpu.memref_slice %arg4[%add3A_362, %dma_wait3A_470] : memref<32768x128xf32, #tpu.memory_space<hbm>> -> memref<128x128xf32, #tpu.memory_space<hbm>>
    %dma_wait3A_472 = arith.constant 0 : i32
    %dma_wait3A_473 = arith.constant 0 : i32
    %dma_wait3A_474 = tpu.memref_slice %arg7[%dma_wait3A_463, %dma_wait3A_472, %dma_wait3A_473] : memref<4x128x128xf32, #tpu.memory_space<vmem>> -> memref<1x128x128xf32, #tpu.memory_space<vmem>>
    %dma_wait3A_475 = tpu.memref_squeeze %dma_wait3A_474 : memref<1x128x128xf32, #tpu.memory_space<vmem>> -> memref<128x128xf32, #tpu.memory_space<vmem>>
    tpu.wait_dma2 semaphore(%arg13 : memref<!tpu.dma_semaphore, #tpu.memory_space<semaphore_mem>>) src(%dma_wait3A_475 : memref<128x128xf32, #tpu.memory_space<vmem>>) dst(%dma_wait3A_471 : memref<128x128xf32, #tpu.memory_space<hbm>>)
    %dma_wait3A_476 = arith.constant 0 : i32
    %dma_wait3A_477 = arith.constant 0 : i32
    %dma_wait3A_478 = arith.constant 0 : i32
    %dma_wait3A_479 = tpu.memref_slice %arg7[%dma_wait3A_476, %dma_wait3A_477, %dma_wait3A_478] : memref<4x128x128xf32, #tpu.memory_space<vmem>> -> memref<1x128x128xf32, #tpu.memory_space<vmem>>
    %dma_wait3A_480 = tpu.memref_squeeze %dma_wait3A_479 : memref<1x128x128xf32, #tpu.memory_space<vmem>> -> memref<128x128xf32, #tpu.memory_space<vmem>>
    %dma_wait3A_481 = arith.constant 0 : i32
    %dma_wait3A_482 = tpu.memref_slice %arg5[%add3A_362, %dma_wait3A_481] : memref<32768x128xf32, #tpu.memory_space<hbm>> -> memref<128x128xf32, #tpu.memory_space<hbm>>
    %dma_wait3A_483 = arith.constant 0 : i32
    %dma_wait3A_484 = tpu.memref_slice %arg5[%add3A_362, %dma_wait3A_483] : memref<32768x128xf32, #tpu.memory_space<hbm>> -> memref<128x128xf32, #tpu.memory_space<hbm>>
    %dma_wait3A_485 = arith.constant 0 : i32
    %dma_wait3A_486 = arith.constant 0 : i32
    %dma_wait3A_487 = tpu.memref_slice %arg7[%dma_wait3A_476, %dma_wait3A_485, %dma_wait3A_486] : memref<4x128x128xf32, #tpu.memory_space<vmem>> -> memref<1x128x128xf32, #tpu.memory_space<vmem>>
    %dma_wait3A_488 = tpu.memref_squeeze %dma_wait3A_487 : memref<1x128x128xf32, #tpu.memory_space<vmem>> -> memref<128x128xf32, #tpu.memory_space<vmem>>
    tpu.wait_dma2 semaphore(%arg17 : memref<!tpu.dma_semaphore, #tpu.memory_space<semaphore_mem>>) src(%dma_wait3A_488 : memref<128x128xf32, #tpu.memory_space<vmem>>) dst(%dma_wait3A_484 : memref<128x128xf32, #tpu.memory_space<hbm>>)
    %dma_start3A_489 = arith.constant 0 : i32
    %dma_start3A_490 = arith.constant 0 : i32
    %dma_start3A_491 = arith.constant 0 : i32
    %dma_start3A_492 = tpu.memref_slice %arg7[%dma_start3A_489, %dma_start3A_490, %dma_start3A_491] : memref<4x128x128xf32, #tpu.memory_space<vmem>> -> memref<1x96x128xf32, #tpu.memory_space<vmem>>
    %dma_start3A_493 = tpu.memref_squeeze %dma_start3A_492 : memref<1x96x128xf32, #tpu.memory_space<vmem>> -> memref<96x128xf32, #tpu.memory_space<vmem>>
    %dma_start3A_494 = arith.constant 896 : i32
    %dma_start3A_495 = tpu.memref_slice %arg6[%dma_start3A_494] : memref<1024xi32, #tpu.memory_space<vmem>> -> memref<96xi32, #tpu.memory_space<vmem>>
    %dma_start3A_496 = arith.constant 0 : i32
    %dma_start3A_497 = arith.constant 0 : i32
    %dma_start3A_498 = tpu.memref_slice %arg8[%dma_start3A_496, %dma_start3A_497] : memref<128x128xf32, #tpu.memory_space<vmem_shared>> -> memref<128x128xf32, #tpu.memory_space<vmem_shared>>
    tpu.enqueue_indirect_dma source(%dma_start3A_498 : memref<128x128xf32, #tpu.memory_space<vmem_shared>>) target(%dma_start3A_493 : memref<96x128xf32, #tpu.memory_space<vmem>>) offsets(%dma_start3A_495 : memref<96xi32, #tpu.memory_space<vmem>>) semaphore(%arg9 : memref<!tpu.dma_semaphore, #tpu.memory_space<semaphore_mem>>)
    %dma_wait3A_499 = arith.constant 2 : i32
    %dma_wait3A_500 = arith.constant 0 : i32
    %dma_wait3A_501 = arith.constant 0 : i32
    %dma_wait3A_502 = tpu.memref_slice %arg7[%dma_wait3A_499, %dma_wait3A_500, %dma_wait3A_501] : memref<4x128x128xf32, #tpu.memory_space<vmem>> -> memref<1x128x128xf32, #tpu.memory_space<vmem>>
    %dma_wait3A_503 = tpu.memref_squeeze %dma_wait3A_502 : memref<1x128x128xf32, #tpu.memory_space<vmem>> -> memref<128x128xf32, #tpu.memory_space<vmem>>
    %dma_wait3A_504 = arith.constant 640 : i32
    %dma_wait3A_505 = tpu.memref_slice %arg6[%dma_wait3A_504] : memref<1024xi32, #tpu.memory_space<vmem>> -> memref<128xi32, #tpu.memory_space<vmem>>
    %dma_wait3A_506 = arith.constant 0 : i32
    %dma_wait3A_507 = arith.constant 0 : i32
    %dma_wait3A_508 = tpu.memref_slice %arg8[%dma_wait3A_506, %dma_wait3A_507] : memref<128x128xf32, #tpu.memory_space<vmem_shared>> -> memref<128x128xf32, #tpu.memory_space<vmem_shared>>
    tpu.wait_indirect_dma semaphore(%arg11 : memref<!tpu.dma_semaphore, #tpu.memory_space<semaphore_mem>>) src(%dma_wait3A_508 : memref<128x128xf32, #tpu.memory_space<vmem_shared>>) dst(%dma_wait3A_503 : memref<128x128xf32, #tpu.memory_space<vmem>>)
    %add3A_509 = arith.constant 640 : i32
    %add3A_510 = arith.addi %mul3A_2, %add3A_509 : i32
    %dma_start3A_511 = arith.constant 2 : i32
    %dma_start3A_512 = arith.constant 0 : i32
    %dma_start3A_513 = arith.constant 0 : i32
    %dma_start3A_514 = tpu.memref_slice %arg7[%dma_start3A_511, %dma_start3A_512, %dma_start3A_513] : memref<4x128x128xf32, #tpu.memory_space<vmem>> -> memref<1x128x128xf32, #tpu.memory_space<vmem>>
    %dma_start3A_515 = tpu.memref_squeeze %dma_start3A_514 : memref<1x128x128xf32, #tpu.memory_space<vmem>> -> memref<128x128xf32, #tpu.memory_space<vmem>>
    %dma_start3A_516 = arith.constant 0 : i32
    %dma_start3A_517 = tpu.memref_slice %arg4[%add3A_510, %dma_start3A_516] : memref<32768x128xf32, #tpu.memory_space<hbm>> -> memref<128x128xf32, #tpu.memory_space<hbm>>
    %dma_start3A_518 = arith.constant 0 : i32
    %dma_start3A_519 = tpu.memref_slice %arg4[%add3A_510, %dma_start3A_518] : memref<32768x128xf32, #tpu.memory_space<hbm>> -> memref<128x128xf32, #tpu.memory_space<hbm>>
    %dma_start3A_520 = arith.constant 0 : i32
    %dma_start3A_521 = arith.constant 0 : i32
    %dma_start3A_522 = tpu.memref_slice %arg7[%dma_start3A_511, %dma_start3A_520, %dma_start3A_521] : memref<4x128x128xf32, #tpu.memory_space<vmem>> -> memref<1x128x128xf32, #tpu.memory_space<vmem>>
    %dma_start3A_523 = tpu.memref_squeeze %dma_start3A_522 : memref<1x128x128xf32, #tpu.memory_space<vmem>> -> memref<128x128xf32, #tpu.memory_space<vmem>>
    tpu.enqueue_dma source(%dma_start3A_523 : memref<128x128xf32, #tpu.memory_space<vmem>>) target(%dma_start3A_519 : memref<128x128xf32, #tpu.memory_space<hbm>>) target_semaphore(%arg15 : memref<!tpu.dma_semaphore, #tpu.memory_space<semaphore_mem>>)
    %dma_start3A_524 = arith.constant 2 : i32
    %dma_start3A_525 = arith.constant 0 : i32
    %dma_start3A_526 = arith.constant 0 : i32
    %dma_start3A_527 = tpu.memref_slice %arg7[%dma_start3A_524, %dma_start3A_525, %dma_start3A_526] : memref<4x128x128xf32, #tpu.memory_space<vmem>> -> memref<1x128x128xf32, #tpu.memory_space<vmem>>
    %dma_start3A_528 = tpu.memref_squeeze %dma_start3A_527 : memref<1x128x128xf32, #tpu.memory_space<vmem>> -> memref<128x128xf32, #tpu.memory_space<vmem>>
    %dma_start3A_529 = arith.constant 0 : i32
    %dma_start3A_530 = tpu.memref_slice %arg5[%add3A_510, %dma_start3A_529] : memref<32768x128xf32, #tpu.memory_space<hbm>> -> memref<128x128xf32, #tpu.memory_space<hbm>>
    %dma_start3A_531 = arith.constant 0 : i32
    %dma_start3A_532 = tpu.memref_slice %arg5[%add3A_510, %dma_start3A_531] : memref<32768x128xf32, #tpu.memory_space<hbm>> -> memref<128x128xf32, #tpu.memory_space<hbm>>
    %dma_start3A_533 = arith.constant 0 : i32
    %dma_start3A_534 = arith.constant 0 : i32
    %dma_start3A_535 = tpu.memref_slice %arg7[%dma_start3A_524, %dma_start3A_533, %dma_start3A_534] : memref<4x128x128xf32, #tpu.memory_space<vmem>> -> memref<1x128x128xf32, #tpu.memory_space<vmem>>
    %dma_start3A_536 = tpu.memref_squeeze %dma_start3A_535 : memref<1x128x128xf32, #tpu.memory_space<vmem>> -> memref<128x128xf32, #tpu.memory_space<vmem>>
    tpu.enqueue_dma source(%dma_start3A_536 : memref<128x128xf32, #tpu.memory_space<vmem>>) target(%dma_start3A_532 : memref<128x128xf32, #tpu.memory_space<hbm>>) target_semaphore(%arg19 : memref<!tpu.dma_semaphore, #tpu.memory_space<semaphore_mem>>)
    %dma_wait3A_537 = arith.constant 1 : i32
    %dma_wait3A_538 = arith.constant 0 : i32
    %dma_wait3A_539 = arith.constant 0 : i32
    %dma_wait3A_540 = tpu.memref_slice %arg7[%dma_wait3A_537, %dma_wait3A_538, %dma_wait3A_539] : memref<4x128x128xf32, #tpu.memory_space<vmem>> -> memref<1x128x128xf32, #tpu.memory_space<vmem>>
    %dma_wait3A_541 = tpu.memref_squeeze %dma_wait3A_540 : memref<1x128x128xf32, #tpu.memory_space<vmem>> -> memref<128x128xf32, #tpu.memory_space<vmem>>
    %dma_wait3A_542 = arith.constant 0 : i32
    %dma_wait3A_543 = tpu.memref_slice %arg4[%add3A_436, %dma_wait3A_542] : memref<32768x128xf32, #tpu.memory_space<hbm>> -> memref<128x128xf32, #tpu.memory_space<hbm>>
    %dma_wait3A_544 = arith.constant 0 : i32
    %dma_wait3A_545 = tpu.memref_slice %arg4[%add3A_436, %dma_wait3A_544] : memref<32768x128xf32, #tpu.memory_space<hbm>> -> memref<128x128xf32, #tpu.memory_space<hbm>>
    %dma_wait3A_546 = arith.constant 0 : i32
    %dma_wait3A_547 = arith.constant 0 : i32
    %dma_wait3A_548 = tpu.memref_slice %arg7[%dma_wait3A_537, %dma_wait3A_546, %dma_wait3A_547] : memref<4x128x128xf32, #tpu.memory_space<vmem>> -> memref<1x128x128xf32, #tpu.memory_space<vmem>>
    %dma_wait3A_549 = tpu.memref_squeeze %dma_wait3A_548 : memref<1x128x128xf32, #tpu.memory_space<vmem>> -> memref<128x128xf32, #tpu.memory_space<vmem>>
    tpu.wait_dma2 semaphore(%arg14 : memref<!tpu.dma_semaphore, #tpu.memory_space<semaphore_mem>>) src(%dma_wait3A_549 : memref<128x128xf32, #tpu.memory_space<vmem>>) dst(%dma_wait3A_545 : memref<128x128xf32, #tpu.memory_space<hbm>>)
    %dma_wait3A_550 = arith.constant 1 : i32
    %dma_wait3A_551 = arith.constant 0 : i32
    %dma_wait3A_552 = arith.constant 0 : i32
    %dma_wait3A_553 = tpu.memref_slice %arg7[%dma_wait3A_550, %dma_wait3A_551, %dma_wait3A_552] : memref<4x128x128xf32, #tpu.memory_space<vmem>> -> memref<1x128x128xf32, #tpu.memory_space<vmem>>
    %dma_wait3A_554 = tpu.memref_squeeze %dma_wait3A_553 : memref<1x128x128xf32, #tpu.memory_space<vmem>> -> memref<128x128xf32, #tpu.memory_space<vmem>>
    %dma_wait3A_555 = arith.constant 0 : i32
    %dma_wait3A_556 = tpu.memref_slice %arg5[%add3A_436, %dma_wait3A_555] : memref<32768x128xf32, #tpu.memory_space<hbm>> -> memref<128x128xf32, #tpu.memory_space<hbm>>
    %dma_wait3A_557 = arith.constant 0 : i32
    %dma_wait3A_558 = tpu.memref_slice %arg5[%add3A_436, %dma_wait3A_557] : memref<32768x128xf32, #tpu.memory_space<hbm>> -> memref<128x128xf32, #tpu.memory_space<hbm>>
    %dma_wait3A_559 = arith.constant 0 : i32
    %dma_wait3A_560 = arith.constant 0 : i32
    %dma_wait3A_561 = tpu.memref_slice %arg7[%dma_wait3A_550, %dma_wait3A_559, %dma_wait3A_560] : memref<4x128x128xf32, #tpu.memory_space<vmem>> -> memref<1x128x128xf32, #tpu.memory_space<vmem>>
    %dma_wait3A_562 = tpu.memref_squeeze %dma_wait3A_561 : memref<1x128x128xf32, #tpu.memory_space<vmem>> -> memref<128x128xf32, #tpu.memory_space<vmem>>
    tpu.wait_dma2 semaphore(%arg18 : memref<!tpu.dma_semaphore, #tpu.memory_space<semaphore_mem>>) src(%dma_wait3A_562 : memref<128x128xf32, #tpu.memory_space<vmem>>) dst(%dma_wait3A_558 : memref<128x128xf32, #tpu.memory_space<hbm>>)
    %dma_start3A_563 = arith.constant 1 : i32
    %dma_start3A_564 = arith.constant 0 : i32
    %dma_start3A_565 = arith.constant 0 : i32
    %dma_start3A_566 = tpu.memref_slice %arg7[%dma_start3A_563, %dma_start3A_564, %dma_start3A_565] : memref<4x128x128xf32, #tpu.memory_space<vmem>> -> memref<1x32x128xf32, #tpu.memory_space<vmem>>
    %dma_start3A_567 = tpu.memref_squeeze %dma_start3A_566 : memref<1x32x128xf32, #tpu.memory_space<vmem>> -> memref<32x128xf32, #tpu.memory_space<vmem>>
    %dma_start3A_568 = arith.constant 992 : i32
    %dma_start3A_569 = tpu.memref_slice %arg6[%dma_start3A_568] : memref<1024xi32, #tpu.memory_space<vmem>> -> memref<32xi32, #tpu.memory_space<vmem>>
    %dma_start3A_570 = arith.constant 0 : i32
    %dma_start3A_571 = arith.constant 0 : i32
    %dma_start3A_572 = tpu.memref_slice %arg8[%dma_start3A_570, %dma_start3A_571] : memref<128x128xf32, #tpu.memory_space<vmem_shared>> -> memref<128x128xf32, #tpu.memory_space<vmem_shared>>
    tpu.enqueue_indirect_dma source(%dma_start3A_572 : memref<128x128xf32, #tpu.memory_space<vmem_shared>>) target(%dma_start3A_567 : memref<32x128xf32, #tpu.memory_space<vmem>>) offsets(%dma_start3A_569 : memref<32xi32, #tpu.memory_space<vmem>>) semaphore(%arg10 : memref<!tpu.dma_semaphore, #tpu.memory_space<semaphore_mem>>)
    %dma_wait3A_573 = arith.constant 3 : i32
    %dma_wait3A_574 = arith.constant 0 : i32
    %dma_wait3A_575 = arith.constant 0 : i32
    %dma_wait3A_576 = tpu.memref_slice %arg7[%dma_wait3A_573, %dma_wait3A_574, %dma_wait3A_575] : memref<4x128x128xf32, #tpu.memory_space<vmem>> -> memref<1x128x128xf32, #tpu.memory_space<vmem>>
    %dma_wait3A_577 = tpu.memref_squeeze %dma_wait3A_576 : memref<1x128x128xf32, #tpu.memory_space<vmem>> -> memref<128x128xf32, #tpu.memory_space<vmem>>
    %dma_wait3A_578 = arith.constant 768 : i32
    %dma_wait3A_579 = tpu.memref_slice %arg6[%dma_wait3A_578] : memref<1024xi32, #tpu.memory_space<vmem>> -> memref<128xi32, #tpu.memory_space<vmem>>
    %dma_wait3A_580 = arith.constant 0 : i32
    %dma_wait3A_581 = arith.constant 0 : i32
    %dma_wait3A_582 = tpu.memref_slice %arg8[%dma_wait3A_580, %dma_wait3A_581] : memref<128x128xf32, #tpu.memory_space<vmem_shared>> -> memref<128x128xf32, #tpu.memory_space<vmem_shared>>
    tpu.wait_indirect_dma semaphore(%arg12 : memref<!tpu.dma_semaphore, #tpu.memory_space<semaphore_mem>>) src(%dma_wait3A_582 : memref<128x128xf32, #tpu.memory_space<vmem_shared>>) dst(%dma_wait3A_577 : memref<128x128xf32, #tpu.memory_space<vmem>>)
    %add3A_583 = arith.constant 768 : i32
    %add3A_584 = arith.addi %mul3A_2, %add3A_583 : i32
    %dma_start3A_585 = arith.constant 3 : i32
    %dma_start3A_586 = arith.constant 0 : i32
    %dma_start3A_587 = arith.constant 0 : i32
    %dma_start3A_588 = tpu.memref_slice %arg7[%dma_start3A_585, %dma_start3A_586, %dma_start3A_587] : memref<4x128x128xf32, #tpu.memory_space<vmem>> -> memref<1x128x128xf32, #tpu.memory_space<vmem>>
    %dma_start3A_589 = tpu.memref_squeeze %dma_start3A_588 : memref<1x128x128xf32, #tpu.memory_space<vmem>> -> memref<128x128xf32, #tpu.memory_space<vmem>>
    %dma_start3A_590 = arith.constant 0 : i32
    %dma_start3A_591 = tpu.memref_slice %arg4[%add3A_584, %dma_start3A_590] : memref<32768x128xf32, #tpu.memory_space<hbm>> -> memref<128x128xf32, #tpu.memory_space<hbm>>
    %dma_start3A_592 = arith.constant 0 : i32
    %dma_start3A_593 = tpu.memref_slice %arg4[%add3A_584, %dma_start3A_592] : memref<32768x128xf32, #tpu.memory_space<hbm>> -> memref<128x128xf32, #tpu.memory_space<hbm>>
    %dma_start3A_594 = arith.constant 0 : i32
    %dma_start3A_595 = arith.constant 0 : i32
    %dma_start3A_596 = tpu.memref_slice %arg7[%dma_start3A_585, %dma_start3A_594, %dma_start3A_595] : memref<4x128x128xf32, #tpu.memory_space<vmem>> -> memref<1x128x128xf32, #tpu.memory_space<vmem>>
    %dma_start3A_597 = tpu.memref_squeeze %dma_start3A_596 : memref<1x128x128xf32, #tpu.memory_space<vmem>> -> memref<128x128xf32, #tpu.memory_space<vmem>>
    tpu.enqueue_dma source(%dma_start3A_597 : memref<128x128xf32, #tpu.memory_space<vmem>>) target(%dma_start3A_593 : memref<128x128xf32, #tpu.memory_space<hbm>>) target_semaphore(%arg16 : memref<!tpu.dma_semaphore, #tpu.memory_space<semaphore_mem>>)
    %dma_start3A_598 = arith.constant 3 : i32
    %dma_start3A_599 = arith.constant 0 : i32
    %dma_start3A_600 = arith.constant 0 : i32
    %dma_start3A_601 = tpu.memref_slice %arg7[%dma_start3A_598, %dma_start3A_599, %dma_start3A_600] : memref<4x128x128xf32, #tpu.memory_space<vmem>> -> memref<1x128x128xf32, #tpu.memory_space<vmem>>
    %dma_start3A_602 = tpu.memref_squeeze %dma_start3A_601 : memref<1x128x128xf32, #tpu.memory_space<vmem>> -> memref<128x128xf32, #tpu.memory_space<vmem>>
    %dma_start3A_603 = arith.constant 0 : i32
    %dma_start3A_604 = tpu.memref_slice %arg5[%add3A_584, %dma_start3A_603] : memref<32768x128xf32, #tpu.memory_space<hbm>> -> memref<128x128xf32, #tpu.memory_space<hbm>>
    %dma_start3A_605 = arith.constant 0 : i32
    %dma_start3A_606 = tpu.memref_slice %arg5[%add3A_584, %dma_start3A_605] : memref<32768x128xf32, #tpu.memory_space<hbm>> -> memref<128x128xf32, #tpu.memory_space<hbm>>
    %dma_start3A_607 = arith.constant 0 : i32
    %dma_start3A_608 = arith.constant 0 : i32
    %dma_start3A_609 = tpu.memref_slice %arg7[%dma_start3A_598, %dma_start3A_607, %dma_start3A_608] : memref<4x128x128xf32, #tpu.memory_space<vmem>> -> memref<1x128x128xf32, #tpu.memory_space<vmem>>
    %dma_start3A_610 = tpu.memref_squeeze %dma_start3A_609 : memref<1x128x128xf32, #tpu.memory_space<vmem>> -> memref<128x128xf32, #tpu.memory_space<vmem>>
    tpu.enqueue_dma source(%dma_start3A_610 : memref<128x128xf32, #tpu.memory_space<vmem>>) target(%dma_start3A_606 : memref<128x128xf32, #tpu.memory_space<hbm>>) target_semaphore(%arg20 : memref<!tpu.dma_semaphore, #tpu.memory_space<semaphore_mem>>)
    %dma_wait3A_611 = arith.constant 0 : i32
    %dma_wait3A_612 = arith.constant 0 : i32
    %dma_wait3A_613 = arith.constant 0 : i32
    %dma_wait3A_614 = tpu.memref_slice %arg7[%dma_wait3A_611, %dma_wait3A_612, %dma_wait3A_613] : memref<4x128x128xf32, #tpu.memory_space<vmem>> -> memref<1x96x128xf32, #tpu.memory_space<vmem>>
    %dma_wait3A_615 = tpu.memref_squeeze %dma_wait3A_614 : memref<1x96x128xf32, #tpu.memory_space<vmem>> -> memref<96x128xf32, #tpu.memory_space<vmem>>
    %dma_wait3A_616 = arith.constant 896 : i32
    %dma_wait3A_617 = tpu.memref_slice %arg6[%dma_wait3A_616] : memref<1024xi32, #tpu.memory_space<vmem>> -> memref<96xi32, #tpu.memory_space<vmem>>
    %dma_wait3A_618 = arith.constant 0 : i32
    %dma_wait3A_619 = arith.constant 0 : i32
    %dma_wait3A_620 = tpu.memref_slice %arg8[%dma_wait3A_618, %dma_wait3A_619] : memref<128x128xf32, #tpu.memory_space<vmem_shared>> -> memref<128x128xf32, #tpu.memory_space<vmem_shared>>
    tpu.wait_indirect_dma semaphore(%arg9 : memref<!tpu.dma_semaphore, #tpu.memory_space<semaphore_mem>>) src(%dma_wait3A_620 : memref<128x128xf32, #tpu.memory_space<vmem_shared>>) dst(%dma_wait3A_615 : memref<96x128xf32, #tpu.memory_space<vmem>>)
    %add3A_621 = arith.constant 896 : i32
    %add3A_622 = arith.addi %mul3A_2, %add3A_621 : i32
    %dma_start3A_623 = arith.constant 0 : i32
    %dma_start3A_624 = arith.constant 0 : i32
    %dma_start3A_625 = arith.constant 0 : i32
    %dma_start3A_626 = tpu.memref_slice %arg7[%dma_start3A_623, %dma_start3A_624, %dma_start3A_625] : memref<4x128x128xf32, #tpu.memory_space<vmem>> -> memref<1x96x128xf32, #tpu.memory_space<vmem>>
    %dma_start3A_627 = tpu.memref_squeeze %dma_start3A_626 : memref<1x96x128xf32, #tpu.memory_space<vmem>> -> memref<96x128xf32, #tpu.memory_space<vmem>>
    %dma_start3A_628 = arith.constant 0 : i32
    %dma_start3A_629 = tpu.memref_slice %arg4[%add3A_622, %dma_start3A_628] : memref<32768x128xf32, #tpu.memory_space<hbm>> -> memref<96x128xf32, #tpu.memory_space<hbm>>
    %dma_start3A_630 = arith.constant 0 : i32
    %dma_start3A_631 = tpu.memref_slice %arg4[%add3A_622, %dma_start3A_630] : memref<32768x128xf32, #tpu.memory_space<hbm>> -> memref<96x128xf32, #tpu.memory_space<hbm>>
    %dma_start3A_632 = arith.constant 0 : i32
    %dma_start3A_633 = arith.constant 0 : i32
    %dma_start3A_634 = tpu.memref_slice %arg7[%dma_start3A_623, %dma_start3A_632, %dma_start3A_633] : memref<4x128x128xf32, #tpu.memory_space<vmem>> -> memref<1x96x128xf32, #tpu.memory_space<vmem>>
    %dma_start3A_635 = tpu.memref_squeeze %dma_start3A_634 : memref<1x96x128xf32, #tpu.memory_space<vmem>> -> memref<96x128xf32, #tpu.memory_space<vmem>>
    tpu.enqueue_dma source(%dma_start3A_635 : memref<96x128xf32, #tpu.memory_space<vmem>>) target(%dma_start3A_631 : memref<96x128xf32, #tpu.memory_space<hbm>>) target_semaphore(%arg13 : memref<!tpu.dma_semaphore, #tpu.memory_space<semaphore_mem>>)
    %dma_start3A_636 = arith.constant 0 : i32
    %dma_start3A_637 = arith.constant 0 : i32
    %dma_start3A_638 = arith.constant 0 : i32
    %dma_start3A_639 = tpu.memref_slice %arg7[%dma_start3A_636, %dma_start3A_637, %dma_start3A_638] : memref<4x128x128xf32, #tpu.memory_space<vmem>> -> memref<1x96x128xf32, #tpu.memory_space<vmem>>
    %dma_start3A_640 = tpu.memref_squeeze %dma_start3A_639 : memref<1x96x128xf32, #tpu.memory_space<vmem>> -> memref<96x128xf32, #tpu.memory_space<vmem>>
    %dma_start3A_641 = arith.constant 0 : i32
    %dma_start3A_642 = tpu.memref_slice %arg5[%add3A_622, %dma_start3A_641] : memref<32768x128xf32, #tpu.memory_space<hbm>> -> memref<96x128xf32, #tpu.memory_space<hbm>>
    %dma_start3A_643 = arith.constant 0 : i32
    %dma_start3A_644 = tpu.memref_slice %arg5[%add3A_622, %dma_start3A_643] : memref<32768x128xf32, #tpu.memory_space<hbm>> -> memref<96x128xf32, #tpu.memory_space<hbm>>
    %dma_start3A_645 = arith.constant 0 : i32
    %dma_start3A_646 = arith.constant 0 : i32
    %dma_start3A_647 = tpu.memref_slice %arg7[%dma_start3A_636, %dma_start3A_645, %dma_start3A_646] : memref<4x128x128xf32, #tpu.memory_space<vmem>> -> memref<1x96x128xf32, #tpu.memory_space<vmem>>
    %dma_start3A_648 = tpu.memref_squeeze %dma_start3A_647 : memref<1x96x128xf32, #tpu.memory_space<vmem>> -> memref<96x128xf32, #tpu.memory_space<vmem>>
    tpu.enqueue_dma source(%dma_start3A_648 : memref<96x128xf32, #tpu.memory_space<vmem>>) target(%dma_start3A_644 : memref<96x128xf32, #tpu.memory_space<hbm>>) target_semaphore(%arg17 : memref<!tpu.dma_semaphore, #tpu.memory_space<semaphore_mem>>)
    %dma_wait3A_649 = arith.constant 1 : i32
    %dma_wait3A_650 = arith.constant 0 : i32
    %dma_wait3A_651 = arith.constant 0 : i32
    %dma_wait3A_652 = tpu.memref_slice %arg7[%dma_wait3A_649, %dma_wait3A_650, %dma_wait3A_651] : memref<4x128x128xf32, #tpu.memory_space<vmem>> -> memref<1x32x128xf32, #tpu.memory_space<vmem>>
    %dma_wait3A_653 = tpu.memref_squeeze %dma_wait3A_652 : memref<1x32x128xf32, #tpu.memory_space<vmem>> -> memref<32x128xf32, #tpu.memory_space<vmem>>
    %dma_wait3A_654 = arith.constant 992 : i32
    %dma_wait3A_655 = tpu.memref_slice %arg6[%dma_wait3A_654] : memref<1024xi32, #tpu.memory_space<vmem>> -> memref<32xi32, #tpu.memory_space<vmem>>
    %dma_wait3A_656 = arith.constant 0 : i32
    %dma_wait3A_657 = arith.constant 0 : i32
    %dma_wait3A_658 = tpu.memref_slice %arg8[%dma_wait3A_656, %dma_wait3A_657] : memref<128x128xf32, #tpu.memory_space<vmem_shared>> -> memref<128x128xf32, #tpu.memory_space<vmem_shared>>
    tpu.wait_indirect_dma semaphore(%arg10 : memref<!tpu.dma_semaphore, #tpu.memory_space<semaphore_mem>>) src(%dma_wait3A_658 : memref<128x128xf32, #tpu.memory_space<vmem_shared>>) dst(%dma_wait3A_653 : memref<32x128xf32, #tpu.memory_space<vmem>>)
    %add3A_659 = arith.constant 992 : i32
    %add3A_660 = arith.addi %mul3A_2, %add3A_659 : i32
    %dma_start3A_661 = arith.constant 1 : i32
    %dma_start3A_662 = arith.constant 0 : i32
    %dma_start3A_663 = arith.constant 0 : i32
    %dma_start3A_664 = tpu.memref_slice %arg7[%dma_start3A_661, %dma_start3A_662, %dma_start3A_663] : memref<4x128x128xf32, #tpu.memory_space<vmem>> -> memref<1x32x128xf32, #tpu.memory_space<vmem>>
    %dma_start3A_665 = tpu.memref_squeeze %dma_start3A_664 : memref<1x32x128xf32, #tpu.memory_space<vmem>> -> memref<32x128xf32, #tpu.memory_space<vmem>>
    %dma_start3A_666 = arith.constant 0 : i32
    %dma_start3A_667 = tpu.memref_slice %arg4[%add3A_660, %dma_start3A_666] : memref<32768x128xf32, #tpu.memory_space<hbm>> -> memref<32x128xf32, #tpu.memory_space<hbm>>
    %dma_start3A_668 = arith.constant 0 : i32
    %dma_start3A_669 = tpu.memref_slice %arg4[%add3A_660, %dma_start3A_668] : memref<32768x128xf32, #tpu.memory_space<hbm>> -> memref<32x128xf32, #tpu.memory_space<hbm>>
    %dma_start3A_670 = arith.constant 0 : i32
    %dma_start3A_671 = arith.constant 0 : i32
    %dma_start3A_672 = tpu.memref_slice %arg7[%dma_start3A_661, %dma_start3A_670, %dma_start3A_671] : memref<4x128x128xf32, #tpu.memory_space<vmem>> -> memref<1x32x128xf32, #tpu.memory_space<vmem>>
    %dma_start3A_673 = tpu.memref_squeeze %dma_start3A_672 : memref<1x32x128xf32, #tpu.memory_space<vmem>> -> memref<32x128xf32, #tpu.memory_space<vmem>>
    tpu.enqueue_dma source(%dma_start3A_673 : memref<32x128xf32, #tpu.memory_space<vmem>>) target(%dma_start3A_669 : memref<32x128xf32, #tpu.memory_space<hbm>>) target_semaphore(%arg14 : memref<!tpu.dma_semaphore, #tpu.memory_space<semaphore_mem>>)
    %dma_start3A_674 = arith.constant 1 : i32
    %dma_start3A_675 = arith.constant 0 : i32
    %dma_start3A_676 = arith.constant 0 : i32
    %dma_start3A_677 = tpu.memref_slice %arg7[%dma_start3A_674, %dma_start3A_675, %dma_start3A_676] : memref<4x128x128xf32, #tpu.memory_space<vmem>> -> memref<1x32x128xf32, #tpu.memory_space<vmem>>
    %dma_start3A_678 = tpu.memref_squeeze %dma_start3A_677 : memref<1x32x128xf32, #tpu.memory_space<vmem>> -> memref<32x128xf32, #tpu.memory_space<vmem>>
    %dma_start3A_679 = arith.constant 0 : i32
    %dma_start3A_680 = tpu.memref_slice %arg5[%add3A_660, %dma_start3A_679] : memref<32768x128xf32, #tpu.memory_space<hbm>> -> memref<32x128xf32, #tpu.memory_space<hbm>>
    %dma_start3A_681 = arith.constant 0 : i32
    %dma_start3A_682 = tpu.memref_slice %arg5[%add3A_660, %dma_start3A_681] : memref<32768x128xf32, #tpu.memory_space<hbm>> -> memref<32x128xf32, #tpu.memory_space<hbm>>
    %dma_start3A_683 = arith.constant 0 : i32
    %dma_start3A_684 = arith.constant 0 : i32
    %dma_start3A_685 = tpu.memref_slice %arg7[%dma_start3A_674, %dma_start3A_683, %dma_start3A_684] : memref<4x128x128xf32, #tpu.memory_space<vmem>> -> memref<1x32x128xf32, #tpu.memory_space<vmem>>
    %dma_start3A_686 = tpu.memref_squeeze %dma_start3A_685 : memref<1x32x128xf32, #tpu.memory_space<vmem>> -> memref<32x128xf32, #tpu.memory_space<vmem>>
    tpu.enqueue_dma source(%dma_start3A_686 : memref<32x128xf32, #tpu.memory_space<vmem>>) target(%dma_start3A_682 : memref<32x128xf32, #tpu.memory_space<hbm>>) target_semaphore(%arg18 : memref<!tpu.dma_semaphore, #tpu.memory_space<semaphore_mem>>)
    %dma_wait3A_687 = arith.constant 2 : i32
    %dma_wait3A_688 = arith.constant 0 : i32
    %dma_wait3A_689 = arith.constant 0 : i32
    %dma_wait3A_690 = tpu.memref_slice %arg7[%dma_wait3A_687, %dma_wait3A_688, %dma_wait3A_689] : memref<4x128x128xf32, #tpu.memory_space<vmem>> -> memref<1x128x128xf32, #tpu.memory_space<vmem>>
    %dma_wait3A_691 = tpu.memref_squeeze %dma_wait3A_690 : memref<1x128x128xf32, #tpu.memory_space<vmem>> -> memref<128x128xf32, #tpu.memory_space<vmem>>
    %dma_wait3A_692 = arith.constant 0 : i32
    %dma_wait3A_693 = tpu.memref_slice %arg4[%add3A_510, %dma_wait3A_692] : memref<32768x128xf32, #tpu.memory_space<hbm>> -> memref<128x128xf32, #tpu.memory_space<hbm>>
    %dma_wait3A_694 = arith.constant 0 : i32
    %dma_wait3A_695 = tpu.memref_slice %arg4[%add3A_510, %dma_wait3A_694] : memref<32768x128xf32, #tpu.memory_space<hbm>> -> memref<128x128xf32, #tpu.memory_space<hbm>>
    %dma_wait3A_696 = arith.constant 0 : i32
    %dma_wait3A_697 = arith.constant 0 : i32
    %dma_wait3A_698 = tpu.memref_slice %arg7[%dma_wait3A_687, %dma_wait3A_696, %dma_wait3A_697] : memref<4x128x128xf32, #tpu.memory_space<vmem>> -> memref<1x128x128xf32, #tpu.memory_space<vmem>>
    %dma_wait3A_699 = tpu.memref_squeeze %dma_wait3A_698 : memref<1x128x128xf32, #tpu.memory_space<vmem>> -> memref<128x128xf32, #tpu.memory_space<vmem>>
    tpu.wait_dma2 semaphore(%arg15 : memref<!tpu.dma_semaphore, #tpu.memory_space<semaphore_mem>>) src(%dma_wait3A_699 : memref<128x128xf32, #tpu.memory_space<vmem>>) dst(%dma_wait3A_695 : memref<128x128xf32, #tpu.memory_space<hbm>>)
    %dma_wait3A_700 = arith.constant 2 : i32
    %dma_wait3A_701 = arith.constant 0 : i32
    %dma_wait3A_702 = arith.constant 0 : i32
    %dma_wait3A_703 = tpu.memref_slice %arg7[%dma_wait3A_700, %dma_wait3A_701, %dma_wait3A_702] : memref<4x128x128xf32, #tpu.memory_space<vmem>> -> memref<1x128x128xf32, #tpu.memory_space<vmem>>
    %dma_wait3A_704 = tpu.memref_squeeze %dma_wait3A_703 : memref<1x128x128xf32, #tpu.memory_space<vmem>> -> memref<128x128xf32, #tpu.memory_space<vmem>>
    %dma_wait3A_705 = arith.constant 0 : i32
    %dma_wait3A_706 = tpu.memref_slice %arg5[%add3A_510, %dma_wait3A_705] : memref<32768x128xf32, #tpu.memory_space<hbm>> -> memref<128x128xf32, #tpu.memory_space<hbm>>
    %dma_wait3A_707 = arith.constant 0 : i32
    %dma_wait3A_708 = tpu.memref_slice %arg5[%add3A_510, %dma_wait3A_707] : memref<32768x128xf32, #tpu.memory_space<hbm>> -> memref<128x128xf32, #tpu.memory_space<hbm>>
    %dma_wait3A_709 = arith.constant 0 : i32
    %dma_wait3A_710 = arith.constant 0 : i32
    %dma_wait3A_711 = tpu.memref_slice %arg7[%dma_wait3A_700, %dma_wait3A_709, %dma_wait3A_710] : memref<4x128x128xf32, #tpu.memory_space<vmem>> -> memref<1x128x128xf32, #tpu.memory_space<vmem>>
    %dma_wait3A_712 = tpu.memref_squeeze %dma_wait3A_711 : memref<1x128x128xf32, #tpu.memory_space<vmem>> -> memref<128x128xf32, #tpu.memory_space<vmem>>
    tpu.wait_dma2 semaphore(%arg19 : memref<!tpu.dma_semaphore, #tpu.memory_space<semaphore_mem>>) src(%dma_wait3A_712 : memref<128x128xf32, #tpu.memory_space<vmem>>) dst(%dma_wait3A_708 : memref<128x128xf32, #tpu.memory_space<hbm>>)
    %dma_wait3A_713 = arith.constant 3 : i32
    %dma_wait3A_714 = arith.constant 0 : i32
    %dma_wait3A_715 = arith.constant 0 : i32
    %dma_wait3A_716 = tpu.memref_slice %arg7[%dma_wait3A_713, %dma_wait3A_714, %dma_wait3A_715] : memref<4x128x128xf32, #tpu.memory_space<vmem>> -> memref<1x128x128xf32, #tpu.memory_space<vmem>>
    %dma_wait3A_717 = tpu.memref_squeeze %dma_wait3A_716 : memref<1x128x128xf32, #tpu.memory_space<vmem>> -> memref<128x128xf32, #tpu.memory_space<vmem>>
    %dma_wait3A_718 = arith.constant 0 : i32
    %dma_wait3A_719 = tpu.memref_slice %arg4[%add3A_584, %dma_wait3A_718] : memref<32768x128xf32, #tpu.memory_space<hbm>> -> memref<128x128xf32, #tpu.memory_space<hbm>>
    %dma_wait3A_720 = arith.constant 0 : i32
    %dma_wait3A_721 = tpu.memref_slice %arg4[%add3A_584, %dma_wait3A_720] : memref<32768x128xf32, #tpu.memory_space<hbm>> -> memref<128x128xf32, #tpu.memory_space<hbm>>
    %dma_wait3A_722 = arith.constant 0 : i32
    %dma_wait3A_723 = arith.constant 0 : i32
    %dma_wait3A_724 = tpu.memref_slice %arg7[%dma_wait3A_713, %dma_wait3A_722, %dma_wait3A_723] : memref<4x128x128xf32, #tpu.memory_space<vmem>> -> memref<1x128x128xf32, #tpu.memory_space<vmem>>
    %dma_wait3A_725 = tpu.memref_squeeze %dma_wait3A_724 : memref<1x128x128xf32, #tpu.memory_space<vmem>> -> memref<128x128xf32, #tpu.memory_space<vmem>>
    tpu.wait_dma2 semaphore(%arg16 : memref<!tpu.dma_semaphore, #tpu.memory_space<semaphore_mem>>) src(%dma_wait3A_725 : memref<128x128xf32, #tpu.memory_space<vmem>>) dst(%dma_wait3A_721 : memref<128x128xf32, #tpu.memory_space<hbm>>)
    %dma_wait3A_726 = arith.constant 3 : i32
    %dma_wait3A_727 = arith.constant 0 : i32
    %dma_wait3A_728 = arith.constant 0 : i32
    %dma_wait3A_729 = tpu.memref_slice %arg7[%dma_wait3A_726, %dma_wait3A_727, %dma_wait3A_728] : memref<4x128x128xf32, #tpu.memory_space<vmem>> -> memref<1x128x128xf32, #tpu.memory_space<vmem>>
    %dma_wait3A_730 = tpu.memref_squeeze %dma_wait3A_729 : memref<1x128x128xf32, #tpu.memory_space<vmem>> -> memref<128x128xf32, #tpu.memory_space<vmem>>
    %dma_wait3A_731 = arith.constant 0 : i32
    %dma_wait3A_732 = tpu.memref_slice %arg5[%add3A_584, %dma_wait3A_731] : memref<32768x128xf32, #tpu.memory_space<hbm>> -> memref<128x128xf32, #tpu.memory_space<hbm>>
    %dma_wait3A_733 = arith.constant 0 : i32
    %dma_wait3A_734 = tpu.memref_slice %arg5[%add3A_584, %dma_wait3A_733] : memref<32768x128xf32, #tpu.memory_space<hbm>> -> memref<128x128xf32, #tpu.memory_space<hbm>>
    %dma_wait3A_735 = arith.constant 0 : i32
    %dma_wait3A_736 = arith.constant 0 : i32
    %dma_wait3A_737 = tpu.memref_slice %arg7[%dma_wait3A_726, %dma_wait3A_735, %dma_wait3A_736] : memref<4x128x128xf32, #tpu.memory_space<vmem>> -> memref<1x128x128xf32, #tpu.memory_space<vmem>>
    %dma_wait3A_738 = tpu.memref_squeeze %dma_wait3A_737 : memref<1x128x128xf32, #tpu.memory_space<vmem>> -> memref<128x128xf32, #tpu.memory_space<vmem>>
    tpu.wait_dma2 semaphore(%arg20 : memref<!tpu.dma_semaphore, #tpu.memory_space<semaphore_mem>>) src(%dma_wait3A_738 : memref<128x128xf32, #tpu.memory_space<vmem>>) dst(%dma_wait3A_734 : memref<128x128xf32, #tpu.memory_space<hbm>>)
    %dma_wait3A_739 = arith.constant 0 : i32
    %dma_wait3A_740 = arith.constant 0 : i32
    %dma_wait3A_741 = arith.constant 0 : i32
    %dma_wait3A_742 = tpu.memref_slice %arg7[%dma_wait3A_739, %dma_wait3A_740, %dma_wait3A_741] : memref<4x128x128xf32, #tpu.memory_space<vmem>> -> memref<1x96x128xf32, #tpu.memory_space<vmem>>
    %dma_wait3A_743 = tpu.memref_squeeze %dma_wait3A_742 : memref<1x96x128xf32, #tpu.memory_space<vmem>> -> memref<96x128xf32, #tpu.memory_space<vmem>>
    %dma_wait3A_744 = arith.constant 0 : i32
    %dma_wait3A_745 = tpu.memref_slice %arg4[%add3A_622, %dma_wait3A_744] : memref<32768x128xf32, #tpu.memory_space<hbm>> -> memref<96x128xf32, #tpu.memory_space<hbm>>
    %dma_wait3A_746 = arith.constant 0 : i32
    %dma_wait3A_747 = tpu.memref_slice %arg4[%add3A_622, %dma_wait3A_746] : memref<32768x128xf32, #tpu.memory_space<hbm>> -> memref<96x128xf32, #tpu.memory_space<hbm>>
    %dma_wait3A_748 = arith.constant 0 : i32
    %dma_wait3A_749 = arith.constant 0 : i32
    %dma_wait3A_750 = tpu.memref_slice %arg7[%dma_wait3A_739, %dma_wait3A_748, %dma_wait3A_749] : memref<4x128x128xf32, #tpu.memory_space<vmem>> -> memref<1x96x128xf32, #tpu.memory_space<vmem>>
    %dma_wait3A_751 = tpu.memref_squeeze %dma_wait3A_750 : memref<1x96x128xf32, #tpu.memory_space<vmem>> -> memref<96x128xf32, #tpu.memory_space<vmem>>
    tpu.wait_dma2 semaphore(%arg13 : memref<!tpu.dma_semaphore, #tpu.memory_space<semaphore_mem>>) src(%dma_wait3A_751 : memref<96x128xf32, #tpu.memory_space<vmem>>) dst(%dma_wait3A_747 : memref<96x128xf32, #tpu.memory_space<hbm>>)
    %dma_wait3A_752 = arith.constant 0 : i32
    %dma_wait3A_753 = arith.constant 0 : i32
    %dma_wait3A_754 = arith.constant 0 : i32
    %dma_wait3A_755 = tpu.memref_slice %arg7[%dma_wait3A_752, %dma_wait3A_753, %dma_wait3A_754] : memref<4x128x128xf32, #tpu.memory_space<vmem>> -> memref<1x96x128xf32, #tpu.memory_space<vmem>>
    %dma_wait3A_756 = tpu.memref_squeeze %dma_wait3A_755 : memref<1x96x128xf32, #tpu.memory_space<vmem>> -> memref<96x128xf32, #tpu.memory_space<vmem>>
    %dma_wait3A_757 = arith.constant 0 : i32
    %dma_wait3A_758 = tpu.memref_slice %arg5[%add3A_622, %dma_wait3A_757] : memref<32768x128xf32, #tpu.memory_space<hbm>> -> memref<96x128xf32, #tpu.memory_space<hbm>>
    %dma_wait3A_759 = arith.constant 0 : i32
    %dma_wait3A_760 = tpu.memref_slice %arg5[%add3A_622, %dma_wait3A_759] : memref<32768x128xf32, #tpu.memory_space<hbm>> -> memref<96x128xf32, #tpu.memory_space<hbm>>
    %dma_wait3A_761 = arith.constant 0 : i32
    %dma_wait3A_762 = arith.constant 0 : i32
    %dma_wait3A_763 = tpu.memref_slice %arg7[%dma_wait3A_752, %dma_wait3A_761, %dma_wait3A_762] : memref<4x128x128xf32, #tpu.memory_space<vmem>> -> memref<1x96x128xf32, #tpu.memory_space<vmem>>
    %dma_wait3A_764 = tpu.memref_squeeze %dma_wait3A_763 : memref<1x96x128xf32, #tpu.memory_space<vmem>> -> memref<96x128xf32, #tpu.memory_space<vmem>>
    tpu.wait_dma2 semaphore(%arg17 : memref<!tpu.dma_semaphore, #tpu.memory_space<semaphore_mem>>) src(%dma_wait3A_764 : memref<96x128xf32, #tpu.memory_space<vmem>>) dst(%dma_wait3A_760 : memref<96x128xf32, #tpu.memory_space<hbm>>)
    %dma_wait3A_765 = arith.constant 1 : i32
    %dma_wait3A_766 = arith.constant 0 : i32
    %dma_wait3A_767 = arith.constant 0 : i32
    %dma_wait3A_768 = tpu.memref_slice %arg7[%dma_wait3A_765, %dma_wait3A_766, %dma_wait3A_767] : memref<4x128x128xf32, #tpu.memory_space<vmem>> -> memref<1x32x128xf32, #tpu.memory_space<vmem>>
    %dma_wait3A_769 = tpu.memref_squeeze %dma_wait3A_768 : memref<1x32x128xf32, #tpu.memory_space<vmem>> -> memref<32x128xf32, #tpu.memory_space<vmem>>
    %dma_wait3A_770 = arith.constant 0 : i32
    %dma_wait3A_771 = tpu.memref_slice %arg4[%add3A_660, %dma_wait3A_770] : memref<32768x128xf32, #tpu.memory_space<hbm>> -> memref<32x128xf32, #tpu.memory_space<hbm>>
    %dma_wait3A_772 = arith.constant 0 : i32
    %dma_wait3A_773 = tpu.memref_slice %arg4[%add3A_660, %dma_wait3A_772] : memref<32768x128xf32, #tpu.memory_space<hbm>> -> memref<32x128xf32, #tpu.memory_space<hbm>>
    %dma_wait3A_774 = arith.constant 0 : i32
    %dma_wait3A_775 = arith.constant 0 : i32
    %dma_wait3A_776 = tpu.memref_slice %arg7[%dma_wait3A_765, %dma_wait3A_774, %dma_wait3A_775] : memref<4x128x128xf32, #tpu.memory_space<vmem>> -> memref<1x32x128xf32, #tpu.memory_space<vmem>>
    %dma_wait3A_777 = tpu.memref_squeeze %dma_wait3A_776 : memref<1x32x128xf32, #tpu.memory_space<vmem>> -> memref<32x128xf32, #tpu.memory_space<vmem>>
    tpu.wait_dma2 semaphore(%arg14 : memref<!tpu.dma_semaphore, #tpu.memory_space<semaphore_mem>>) src(%dma_wait3A_777 : memref<32x128xf32, #tpu.memory_space<vmem>>) dst(%dma_wait3A_773 : memref<32x128xf32, #tpu.memory_space<hbm>>)
    %dma_wait3A_778 = arith.constant 1 : i32
    %dma_wait3A_779 = arith.constant 0 : i32
    %dma_wait3A_780 = arith.constant 0 : i32
    %dma_wait3A_781 = tpu.memref_slice %arg7[%dma_wait3A_778, %dma_wait3A_779, %dma_wait3A_780] : memref<4x128x128xf32, #tpu.memory_space<vmem>> -> memref<1x32x128xf32, #tpu.memory_space<vmem>>
    %dma_wait3A_782 = tpu.memref_squeeze %dma_wait3A_781 : memref<1x32x128xf32, #tpu.memory_space<vmem>> -> memref<32x128xf32, #tpu.memory_space<vmem>>
    %dma_wait3A_783 = arith.constant 0 : i32
    %dma_wait3A_784 = tpu.memref_slice %arg5[%add3A_660, %dma_wait3A_783] : memref<32768x128xf32, #tpu.memory_space<hbm>> -> memref<32x128xf32, #tpu.memory_space<hbm>>
    %dma_wait3A_785 = arith.constant 0 : i32
    %dma_wait3A_786 = tpu.memref_slice %arg5[%add3A_660, %dma_wait3A_785] : memref<32768x128xf32, #tpu.memory_space<hbm>> -> memref<32x128xf32, #tpu.memory_space<hbm>>
    %dma_wait3A_787 = arith.constant 0 : i32
    %dma_wait3A_788 = arith.constant 0 : i32
    %dma_wait3A_789 = tpu.memref_slice %arg7[%dma_wait3A_778, %dma_wait3A_787, %dma_wait3A_788] : memref<4x128x128xf32, #tpu.memory_space<vmem>> -> memref<1x32x128xf32, #tpu.memory_space<vmem>>
    %dma_wait3A_790 = tpu.memref_squeeze %dma_wait3A_789 : memref<1x32x128xf32, #tpu.memory_space<vmem>> -> memref<32x128xf32, #tpu.memory_space<vmem>>
    tpu.wait_dma2 semaphore(%arg18 : memref<!tpu.dma_semaphore, #tpu.memory_space<semaphore_mem>>) src(%dma_wait3A_790 : memref<32x128xf32, #tpu.memory_space<vmem>>) dst(%dma_wait3A_786 : memref<32x128xf32, #tpu.memory_space<hbm>>)
    return
  }
}

</mosaic_0001>

<sc_bundles>
// kernel: kernel.3.cloned.1.call-start
scs
__scs_entry_jumppad:
0x0: {  	(pc) =	sbr.rel $0x88, $3  }
0x1: {  	(tag) =	ssettag $0x0;
	lr =	simm.s32 $0x1  }
0x2: {  	[smem:$0x3F9F] =	sst lr;
	_ =	strace $0xD0000000  }
0x3: {  	_ = 	snop  }
0x4: {  	_ = 	snop  }
0x5: {  	_ = 	snop  }
0x6: {  	_ = 	snop  }
0x7: {  	_ = 	snop  }
__scs_overlays_trampoline_lowered:
0x8: {  	[smem:$0x3FAE] =	sst s0  }
0x9: {  	[smem:$0x3FAF] =	sst s1  }
0xa: {  	[smem:$0x3FB0] =	sst s2  }
0xb: {  	[smem:$0x3FB1] =	sst s3  }
0xc: {  	[smem:$0x3FB2] =	sst s4  }
0xd: {  	[smem:$0x3FB3] =	sst s5  }
0xe: {  	[smem:$0x3FB4] =	sst s6  }
0xf: {  	[smem:$0x3FB5] =	sst s7  }
0x10: {  	[smem:$0x3FB6] =	sst s8  }
0x11: {  	[smem:$0x3FB7] =	sst s9;
	s0 =	simm.s32 @!p0 $0x0  }
0x12: {  	s1 =	sld [smem:$0x3F9D];
	s0 =	simm.s32 @p0 $0x1  }
0x13: {  	[smem:$0x3FB8] =	sst s0;
	s0 =	simm.s32 @!p1 $0x0  }
0x14: {  	s2 =	sld [smem:$0x3F9C];
	s0 =	simm.s32 @p1 $0x1  }
0x15: {  	[smem:$0x3FB9] =	sst s0;
	s0 =	simm.s32 @!p2 $0x0  }
0x16: {  	s3 =	sld [smem:$0x3FDB];
	s0 =	simm.s32 @p2 $0x1  }
0x17: {  	s4 =	simm.s32 $0x1BF5;
	[smem:$0x3FBB] =	sst s0  }
0x18: {  	s0 =	sld [smem:$0x3F9E];
	_ =	swait.ge [sflag:s4], $0x0  }
0x19: {  	s7 =	sld [smem:$0x3F9F]  }
0x1a: {  	s8 =	sadd.s32 $0xFFFFE003, lr  }
0x1b: {  	s9 =	sadd.s32 $0xFFFFFEF7, lr;
	s5 =	simm.s32 $0xFFFFFFFF;
	p2 =	slt.u32 s8, $0xFFFFF086  }
0x1c: {  	p1 =	slt.u32 s9, $0xF7A;
	s5 =	simm.s32 @!p2 $0x0  }
0x1d: {  	s5 =	simm.s32 @p1 $0x1;
	p0 =	seq.s32 s7, s2  }
0x1e: {  	s7 =	smul.u32 @!p0 $0xF7A, s2;
	p2 =	seq.s32 @!p0 s5, $0x0  }
0x1f: {  	s9 =	smul.u32 $0xF7A, s1;
	s8 =	simm.s32 @!p0 $0x1BF5;
	p2 =	por !p2, p0  }
0x20: {  	[sflag:s8] =	ssyncset.s32 @!p0 $0xFFFFF086;
	s6 =	sadd.s32 @!p0 s3, s7;
	s7 =	simm.s32 @!p0 $0x108  }
0x21: {  	s3 =	sadd.s32 s3, s9;
	s6 =	sadd.s32 @!p0 $0x88, s6;
	s7 =	simm.s32 @p2 $0x1082  }
0x22: {  	[simem:s7], [sflag:s8] =	dma.local @!p0 [hbm:s6], $0xF7A  }
0x23: {  	s9 =	sor.u32 $0xD0000000, s2;
	s6 =	simm.s32 $0x108;
	_ =	swait.ge @!p0 [sflag:s8], $0x0  }
0x24: {  	s3 =	sadd.s32 $0x88, s3;
	s6 =	simm.s32 @!p1 $0x1082;
	[sflag:s4] =	ssyncset.s32 $0xFFFFF086  }
0x25: {  	[simem:s6], [sflag:s4] =	dma.local [hbm:s3], $0xF7A  }
0x26: {  	[smem:$0x3F9F] =	sst s1;
	(tag) =	ssettag s2;
	_ =	strace s9  }
0x27: {  	s1 =	sld [smem:$0x3FAF]  }
0x28: {  	s2 =	sld [smem:$0x3FB0]  }
0x29: {  	s4 =	sld [smem:$0x3FB2]  }
0x2a: {  	p0 =	seq.s32 s5, $0x0;
	s5 =	sld [smem:$0x3FB3]  }
0x2b: {  	s6 =	sld [smem:$0x3FB4]  }
0x2c: {  	s7 =	sld [smem:$0x3FB5]  }
0x2d: {  	s3 =	simm.s32 $0x108;
	s8 =	sld [smem:$0x3FB6]  }
0x2e: {  	s3 =	simm.s32 @!p0 $0x1082;
	s9 =	sld [smem:$0x3FB7]  }
0x2f: {  	lr =	sadd.s32 s0, s3;
	s0 =	sld [smem:$0x3FAE]  }
0x30: {  	s3 =	sld [smem:$0x3FB1]  }
0x31: {  	[smem:$0x3FBA] =	sst s10  }
0x32: {  	s10 =	sld [smem:$0x3FB8];
	_ =	sdelay $0x3  }
0x33: {  	p0 =	seq.s32 s10, $0x1;
	s10 =	sld [smem:$0x3FBA];
	_ =	sdelay $0x3  }
0x34: {  	[smem:$0x3FBA] =	sst s10  }
0x35: {  	s10 =	sld [smem:$0x3FB9];
	_ =	sdelay $0x3  }
0x36: {  	p1 =	seq.s32 s10, $0x1;
	s10 =	sld [smem:$0x3FBA];
	_ =	sdelay $0x3  }
0x37: {  	[smem:$0x3FBA] =	sst s10  }
0x38: {  	s10 =	sld [smem:$0x3FBB]  }
0x39: {  	_ = 	snop;
	(pc) =	sbr.ind lr, $3  }
0x3a: {  	_ = 	snop  }
0x3b: {  	_ = 	snop  }
0x3c: {  	p2 =	seq.s32 s10, $0x1;
	s10 =	sld [smem:$0x3FBA]  }
0x3d: {  	_ =	shalt  }
0x3e: {  	_ =	shalt  }
0x3f: {  	_ =	shalt  }
0x40: {  	_ =	shalt  }
0x41: {  	_ =	shalt  }
0x42: {  	_ =	shalt  }
0x43: {  	_ =	shalt  }
0x44: {  	_ =	shalt  }
0x45: {  	_ =	shalt  }
0x46: {  	_ =	shalt  }
0x47: {  	_ =	shalt  }
0x48: {  	_ =	shalt  }
0x49: {  	_ =	shalt  }
0x4a: {  	_ =	shalt  }
0x4b: {  	_ =	shalt  }
0x4c: {  	_ =	shalt  }
0x4d: {  	_ =	shalt  }
0x4e: {  	_ =	shalt  }
0x4f: {  	_ =	shalt  }
0x50: {  	_ =	shalt  }
0x51: {  	_ =	shalt  }
0x52: {  	_ =	shalt  }
0x53: {  	_ =	shalt  }
0x54: {  	_ =	shalt  }
0x55: {  	_ =	shalt  }
0x56: {  	_ =	shalt  }
0x57: {  	_ =	shalt  }
0x58: {  	_ =	shalt  }
0x59: {  	_ =	shalt  }
0x5a: {  	_ =	shalt  }
0x5b: {  	_ =	shalt  }
0x5c: {  	_ =	shalt  }
0x5d: {  	_ =	shalt  }
0x5e: {  	_ =	shalt  }
0x5f: {  	_ =	shalt  }
0x60: {  	_ =	shalt  }
0x61: {  	_ =	shalt  }
0x62: {  	_ =	shalt  }
0x63: {  	_ =	shalt  }
0x64: {  	_ =	shalt  }
0x65: {  	_ =	shalt  }
0x66: {  	_ =	shalt  }
0x67: {  	_ =	shalt  }
0x68: {  	_ =	shalt  }
0x69: {  	_ =	shalt  }
0x6a: {  	_ =	shalt  }
0x6b: {  	_ =	shalt  }
0x6c: {  	_ =	shalt  }
0x6d: {  	_ =	shalt  }
0x6e: {  	_ =	shalt  }
0x6f: {  	_ =	shalt  }
0x70: {  	_ =	shalt  }
0x71: {  	_ =	shalt  }
0x72: {  	_ =	shalt  }
0x73: {  	_ =	shalt  }
0x74: {  	_ =	shalt  }
0x75: {  	_ =	shalt  }
0x76: {  	_ =	shalt  }
0x77: {  	_ =	shalt  }
0x78: {  	_ =	shalt  }
0x79: {  	_ =	shalt  }
0x7a: {  	_ =	shalt  }
0x7b: {  	_ =	shalt  }
0x7c: {  	_ =	shalt  }
0x7d: {  	_ =	shalt  }
0x7e: {  	_ =	shalt  }
0x7f: {  	_ =	shalt  }
0x80: {  	_ =	shalt  }
0x81: {  	_ =	shalt  }
0x82: {  	_ =	shalt  }
0x83: {  	_ =	shalt  }
0x84: {  	_ =	shalt  }
0x85: {  	_ =	shalt  }
0x86: {  	_ =	shalt  }
0x87: {  	_ =	shalt  }
.Lfunc_end0:
.L_simem_size_0:
called_computation_lowered:
.L_overlay_start_0:
0x88: {  	s2 =	sld [smem:$0x3FD9]  }
0x89: {  	s3 =	sld [smem:$0x3FFE];
	_ =	sdelay $0x1  }
0x8a: {  	s1 =	srdreg.scid  }
0x8b: {  	s0 =	sand.u32 $0x1, s1  }
0x8c: {  	s15 =	sshll.u32 s0, $0xA;
	s2 =	sadd.s32 s3, s2  }
0x8d: {  	s2 =	sadd.s32 s2, s15  }
0x8e: {  	[smem:$0x3FC6] =	sst s2  }
0x8f: {  	_ = 	snop  }
0x90: {  	s2 =	sld [smem:$0x3FD0];
	_ =	sdelay $0x1  }
0x91: {  	s16 =	sld [smem:$0x3FC9]  }
0x92: {  	s5 =	simm.s32 $0xA;
	s6 =	simm.s32 $0x10;
	s4 =	sld [smem:$0x3FC8]  }
0x93: {  	[smem:s6], [sflag:s5] =	dma.local [hbm:s2], $0x1  }
0x94: {  	_ =	swait.eq [sflag:s5], $0x1  }
0x95: {  	[sflag:s5] =	ssyncset.done $0x0  }
0x96: {  	s17 =	sld [smem:$0x10];
	[sflag:s5] =	ssyncadd.s32 $0xFFFFFFFF  }
0x97: {  	s18 =	sld [smem:$0x11];
	(tm) =	ssettm $0x1  }
0x98: {  	s19 =	sld [smem:$0x3FFB];
	_ =	sdelay $0x3  }
0x99: {  	_ =	strace s19  }
0x9a: {  	s6 =	sld [smem:$0x3FFC];
	_ =	sdelay $0x3  }
0x9b: {  	_ =	strace s6  }
0x9c: {  	s6 =	sld [smem:$0x3FFD];
	_ =	sdelay $0x3  }
0x9d: {  	_ =	strace s6  }
0x9e: {  	_ =	strace $0x8FFFFFFF  }
0x9f: {  	s20 =	sld [smem:$0x3FDB];
	_ =	sdelay $0x1  }
0xa0: {  	s7 =	simm.s32 $_scs_section_size  }
0xa1: {  	s8 =	simm.s32 $_size__tile_overlayer_lowered;
	s9 =	simm.s32 $_tile_overlayer_lowered  }
0xa2: {  	s23 =	simm.s32 $0x1BFF;
	s22 =	sshll.u32 s9, $0x1;
	s6 =	sadd.s32 s7, s20  }
0xa3: {  	s10 =	simm.s32 $0x0;
	s21 =	sshll.u32 s8, $0x1;
	s8 =	sadd.s32 s22, s6  }
0xa4: {  	[timem:s10], [sflag:s23] =	dma.local [hbm:s8], s21  }
0xa5: {  	_ =	swait.ge [sflag:s23], s21  }
0xa6: {  	s7 =	ssub.s32 $0x0, s21;
	[sflag:s23] =	ssyncset.done $0x0  }
0xa7: {  	[sflag:s23] =	ssyncadd.s32 s7;
	_ =	sdelay $0x1  }
0xa8: {  	s24 =	simm.s32 $0x1B8B  }
0xa9: {  	_ =	swait.ge [sflag:s24], $0x1  }
0xaa: {  	[sflag:s24] =	ssyncset.done $0x0  }
0xab: {  	s25 =	simm.s32 $0x1B8E;
	[sflag:s24] =	ssyncadd.s32 $0xFFFFFFFF  }
0xac: {  	s26 =	simm.s32 $execute0_lowered;
	[smem:$0x3FD2] =	sst s25  }
0xad: {  	s7 =	sshll.u32 s26, $0x1;
	_ =	strace $0x80000046;
	[dreg:$0x1] =	wrdreg $0xFFFFFFFF  }
0xae: {  	s28 =	simm.s32 $_size_execute0_lowered;
	s6 =	sadd.s32 s6, s7;
	[dreg:$0x0] =	wrdreg $0x0  }
0xaf: {  	s7 =	sshll.u32 s28, $0x1;
	[dreg:$0x2] =	wrdreg s6  }
0xb0: {  	[dreg:$0x3] =	wrdreg s7  }
0xb1: {  	[dreg:$0x4] =	wrdreg $0xC0  }
0xb2: {  	_ =	task [dreg:s10], $0x5FFFF  }
0xb3: {  	[dreg:$0x1] =	wrdreg $0xFFFFFFFF  }
0xb4: {  	[dreg:$0x0] =	wrdreg $0x60  }
0xb5: {  	[dreg:$0x2] =	wrdreg s4  }
0xb6: {  	[dreg:$0x3] =	wrdreg s16  }
0xb7: {  	[dreg:$0x4] =	wrdreg s17  }
0xb8: {  	[dreg:$0x5] =	wrdreg s18  }
0xb9: {  	[dreg:$0x6] =	wrdreg $0x104000  }
0xba: {  	[dreg:$0x7] =	wrdreg $0x9  }
0xbb: {  	_ =	task.clear_ibuf [dreg:s10], $0x8FFFF;
	_ =	strace $0x90000046  }
0xbc: {  	s29 =	simm.s32 $0x9;
	_ =	strace $0x80000048  }
0xbd: {  	_ =	swait.ge [sflag:s29], $0x1  }
0xbe: {  	[sflag:s29] =	ssyncadd.s32 $0xFFFFFFFF  }
0xbf: {  	_ =	strace $0x90000048  }
0xc0: {  	_ =	sfence  }
0xc1: {  	s30 =	sld [smem:$0x0];
	_ =	sdelay $0x2  }
0xc2: {  	s31 =	sshll.u32 s1, $0xD;
	s1 =	sshrl.u32 s1, $0x2  }
0xc3: {  	s3 =	sand.u32 $0x4000, s31;
	s1 =	sadd.s32 s1, s30  }
0xc4: {  	s0 =	sor.u32 s3, s0;
	s1 =	sshll.u32 s1, $0x11  }
0xc5: {  	s0 =	sor.u32 s1, s0  }
0xc6: {  	s0 =	sadd.s32 $0x8F2B, s0  }
0xc7: {  	[sflag:s0] =	ssyncadd.remote.s32 $0x1  }
0xc8: {  	_ =	sfence.sel $0xFFFF  }
0xc9: {  	[dreg:$0x0] =	wrdreg $0xFFFFFFFF;
	(pc) =	sbr.abs _section_cstart, $3  }
0xca: {  	[dreg:$0x1] =	wrdreg $0xFFFFFFFF  }
0xcb: {  	_ =	task.clear_ibuf [dreg:s10], $0x2FFFF;
	_ =	strace $0x9FFFFFFF  }
0xcc: {  	(tm) =	ssettm $0x7FFFFFFF  }
0xcd: {  	_ =	shalt  }
tec
execute0_lowered:
.L_overlay_start_1:
0x0: {  	(tag) =	ssettag $0x1  }
0x1: {  	s1 =	rddreg [dreg:$0x0]  }
0x2: {  	s5 =	rddreg [dreg:$0x1]  }
0x3: {  	s4 =	rddreg [dreg:$0x2]  }
0x4: {  	s0 =	rddreg [dreg:$0x3]  }
0x5: {  	s3 =	rddreg [dreg:$0x4]  }
0x6: {  	s23 =	rddreg [dreg:$0x5]  }
0x7: {  	s2 =	simm.s32 $0x0;
	s10 =	stileid.u32;
	s6 =	srdreg.scid  }
0x8: {  	[smem:$0x7FF] =	sst s2;
	s7 =	sshll.u32 s10, $0x7;
	s6 =	sand.u32 $0x1, s6  }
0x9: {  	s8 =	sshll.u32 s10, $0x1;
	s11 =	sshll.u32 s10, $0x6;
	_ =	strace $0x80000047  }
0xa: {  	s1 =	sadd.s32 s1, s7;
	s26 =	sor.u32 s6, s8;
	s8 =	sshll.u32 s10, $0x2  }
0xb: {  	[dreg:$0x6] =	wrdreg s1;
	s9 =	sshll.u32 s26, $0x9;
	s1 =	sand.u32 $0x30, s8  }
0xc: {  	s8 =	sor.u32 $0x1C01, s11;
	s9 =	sand.u32 $0xE00, s9;
	s1 =	sadd.s32 s5, s1  }
0xd: {  	[dreg:$0x7] =	wrdreg s8;
	s5 =	sshll.u32 s26, $0xE;
	s1 =	sadd.s32 s9, s1  }
0xe: {  	s30 =	simm.s32 $0x180;
	s12 =	sadd.s32 s4, s5;
	[dreg:$0x8] =	wrdreg s1  }
0xf: {  	p0 =	por $0x0, $0x0;
	s13 =	sadd.s32 s0, s5;
	[dreg:$0x9] =	wrdreg s12  }
0x10: {  	s29 =	simm.s32 $0x280;
	s7 =	sor.u32 $0x200, s5;
	[dreg:$0xa] =	wrdreg s13  }
0x11: {  	s28 =	simm.s32 $0x300;
	s14 =	sadd.s32 s4, s7;
	s1 =	rddreg [dreg:$0x6]  }
0x12: {  	s16 =	sor.u32 $0x800, s5;
	s15 =	sadd.s32 s0, s7;
	[dreg:$0xb] =	wrdreg s14  }
0x13: {  	s6 =	ssub.s32 $0x2, s6;
	s17 =	sadd.s32 s4, s16;
	[dreg:$0xc] =	wrdreg s15  }
0x14: {  	s19 =	sor.u32 $0x1000, s5;
	s18 =	sadd.s32 s0, s16;
	[dreg:$0xd] =	wrdreg s17  }
0x15: {  	s22 =	sor.u32 $0x1800, s5;
	s20 =	sadd.s32 s4, s19;
	[dreg:$0xe] =	wrdreg s18  }
0x16: {  	s26 =	sor.u32 $0x2000, s5;
	s21 =	sadd.s32 s0, s19;
	[dreg:$0xf] =	wrdreg s20  }
0x17: {  	s11 =	sor.u32 $0x2800, s5;
	s24 =	sadd.s32 s4, s22;
	[dreg:$0x10] =	wrdreg s21  }
0x18: {  	s25 =	sadd.s32 s0, s22;
	s8 =	sadd.s32 s4, s26;
	[dreg:$0x11] =	wrdreg s24  }
0x19: {  	s9 =	sadd.s32 s0, s26;
	s12 =	sadd.s32 s4, s11;
	[dreg:$0x12] =	wrdreg s25  }
0x1a: {  	s13 =	sadd.s32 s0, s11;
	s26 =	simm.s32 $0x200;
	[dreg:$0x13] =	wrdreg s8  }
0x1b: {  	s11 =	simm.s32 $0x400;
	s7 =	simm.s32 $0x5;
	[dreg:$0x14] =	wrdreg s9  }
0x1c: {  	[dreg:$0x15] =	wrdreg s12;
	s14 =	sor.u32 $0x3000, s5;
	s15 =	sshrl.u32 s6, $0x1  }
0x1d: {  	[dreg:$0x16] =	wrdreg s13;
	s18 =	sor.u32 $0x3800, s5;
	s5 =	sor.u32 $0x3E00, s5  }
0x1e: {  	s21 =	sshll.u32 s10, $0xA;
	s10 =	simm.s32 $0x1;
	s8 =	simm.s32 $0x2  }
0x1f: {  	s9 =	simm.s32 $0x4400;
	s12 =	simm.s32 $0xB;
	s13 =	simm.s32 $0xC  }
0x20: {  	s16 =	sadd.s32 s4, s14;
	s17 =	sadd.s32 s0, s14;
	s6 =	ssub.s32 s6, s15  }
0x21: {  	s19 =	sadd.s32 s4, s18;
	s20 =	sadd.s32 s0, s18;
	s22 =	sadd.s32 s4, s5  }
0x22: {  	s24 =	sadd.s32 s21, s3;
	s0 =	sadd.s32 s0, s5;
	[dreg:$0x17] =	wrdreg s16  }
0x23: {  	s5 =	simm.s32 $0x9;
	s21 =	simm.s32 $0x3;
	[dreg:$0x18] =	wrdreg s17  }
0x24: {  	s4 =	simm.s32 $0xA;
	[dreg:$0x19] =	wrdreg s19;
	s25 =	smax.u32 s6, $0x1  }
0x25: {  	s18 =	simm.s32 $0x4;
	[dreg:$0x1a] =	wrdreg s20;
	p1 =	sne.s32 s25, $0x1  }
.Ltmp0:
0x26: {  	s14 =	simm.s32 $0x7;
	[dreg:$0x1b] =	wrdreg s22;
	(pc) =	sbr.rel @!p1 .LBB2_1-.Ltmp0, $4  }
0x27: {  	s15 =	simm.s32 $0x8;
	[dreg:$0x1c] =	wrdreg s0;
	s31 =	sshrl.u32 s24, $0x3  }
0x28: {  	s22 =	simm.s32 $0x80;
	s17 =	simm.s32 $0x20;
	s20 =	simm.s32 $0x60  }
0x29: {  	s19 =	simm.s32 $0x8400;
	s16 =	simm.s32 $0xC400;
	s6 =	simm.s32 $0x6  }
0x2a: {  	s24 =	simm.s32 $0x3E0;
	s0 =	sadd.s32 $0xFFFFFFFF, s25;
	s25 =	simm.s32 $0x380  }
0x2b: {  	s23 =	smov.u32 s0;
	s0 =	rddreg [dreg:$0x7]  }
0x2c: {  	[spmem:s31], [sflag:s0] =	dma.local [hbm:s1], $0x80  }
0x2d: {  	s0 =	rddreg [dreg:$0x8]  }
0x2e: {  	[tilespmem:s2], [sflag:$0x2] =	stream.strided.gather [hbm4b:s0+s22], $0x400, s26, s22, $0x38;
	[tilespmem:$0x10800] =	vst v63  }
0x2f: {  	_ =	swait.ge [sflag:s10], $0x80  }
0x30: {  	[sflag:s10] =	ssyncset.done $0x0  }
0x31: {  	[sflag:s10] =	ssyncadd.s32 $0xFFFFFF80  }
0x32: {  	_ =	swait.ge [sflag:s8], $0x400  }
0x33: {  	[sflag:s8] =	ssyncset.done $0x0  }
0x34: {  	[sflag:s8] =	ssyncadd.s32 $0xFFFFFC00  }
0x35: {  	[bflag:$0x0] =	sbarrier.arrive $0xFFFF  }
0x36: {  	[tilespmem:s11], [sflag:$0x1] =	stream.indirect.gather [spmem:s3], $0x80, s2, s17, $0xb8;
	[tilespmem:$0x10800] =	vst v63  }
0x37: {  	_ = 	snop  }
0x38: {  	[tilespmem:s9], [sflag:$0x2] =	stream.indirect.gather [spmem:s3], $0x80, s17, s20, $0xb8;
	[tilespmem:$0x10800] =	vst v63  }
0x39: {  	_ = 	snop  }
0x3a: {  	[tilespmem:s19], [sflag:$0x3] =	stream.indirect.gather [spmem:s3], $0x80, s22, s22, $0xb8;
	[tilespmem:$0x10800] =	vst v63  }
0x3b: {  	_ =	swait.ge [sflag:s10], $0x1000  }
0x3c: {  	[sflag:s10] =	ssyncset.done $0x0  }
0x3d: {  	s0 =	rddreg [dreg:$0x9];
	[sflag:s10] =	ssyncadd.s32 $0xFFFFF000  }
0x3e: {  	[hbm4b:s0+s2] =	stream.linear.scatter [tilespmem:s11], [sflag:$0x5], $0x1000, $0x38;
	[tilespmem:$0x10800] =	vst v63  }
0x3f: {  	s1 =	rddreg [dreg:$0xa]  }
0x40: {  	[hbm4b:s1+s2] =	stream.linear.scatter [tilespmem:s11], [sflag:$0x9], $0x1000, $0x38;
	[tilespmem:$0x10800] =	vst v63  }
0x41: {  	s1 =	simm.s32 $0x100  }
0x42: {  	[tilespmem:s16], [sflag:$0x4] =	stream.indirect.gather [spmem:s3], $0x80, s1, s22, $0xb8;
	[tilespmem:$0x10800] =	vst v63  }
0x43: {  	_ =	swait.ge [sflag:s8], $0x3000  }
0x44: {  	[sflag:s8] =	ssyncset.done $0x0  }
0x45: {  	s0 =	rddreg [dreg:$0xb];
	[sflag:s8] =	ssyncadd.s32 $0xFFFFD000  }
0x46: {  	[hbm4b:s0+s2] =	stream.linear.scatter [tilespmem:s9], [sflag:$0x6], $0x3000, $0x38;
	[tilespmem:$0x10800] =	vst v63  }
0x47: {  	s1 =	rddreg [dreg:$0xc]  }
0x48: {  	[hbm4b:s1+s2] =	stream.linear.scatter [tilespmem:s9], [sflag:$0xA], $0x3000, $0x38;
	[tilespmem:$0x10800] =	vst v63  }
0x49: {  	_ =	swait.ge [sflag:s7], $0x1000  }
0x4a: {  	[sflag:s7] =	ssyncset.done $0x0  }
0x4b: {  	[sflag:s7] =	ssyncadd.s32 $0xFFFFF000  }
0x4c: {  	_ =	swait.ge [sflag:s5], $0x1000  }
0x4d: {  	[sflag:s5] =	ssyncset.done $0x0  }
0x4e: {  	[sflag:s5] =	ssyncadd.s32 $0xFFFFF000  }
0x4f: {  	[tilespmem:s11], [sflag:$0x1] =	stream.indirect.gather [spmem:s3], $0x80, s30, s22, $0xb8;
	[tilespmem:$0x10800] =	vst v63  }
0x50: {  	_ =	swait.ge [sflag:s21], $0x4000  }
0x51: {  	[sflag:s21] =	ssyncset.done $0x0  }
0x52: {  	s0 =	rddreg [dreg:$0xd];
	[sflag:s21] =	ssyncadd.s32 $0xFFFFC000  }
0x53: {  	[hbm4b:s0+s2] =	stream.linear.scatter [tilespmem:s19], [sflag:$0x7], $0x4000, $0x38;
	[tilespmem:$0x10800] =	vst v63  }
0x54: {  	s1 =	rddreg [dreg:$0xe]  }
0x55: {  	[hbm4b:s1+s2] =	stream.linear.scatter [tilespmem:s19], [sflag:$0xB], $0x4000, $0x38;
	[tilespmem:$0x10800] =	vst v63  }
0x56: {  	_ =	swait.ge [sflag:s6], $0x3000  }
0x57: {  	[sflag:s6] =	ssyncset.done $0x0  }
0x58: {  	[sflag:s6] =	ssyncadd.s32 $0xFFFFD000  }
0x59: {  	_ =	swait.ge [sflag:s4], $0x3000  }
0x5a: {  	[sflag:s4] =	ssyncset.done $0x0  }
0x5b: {  	[sflag:s4] =	ssyncadd.s32 $0xFFFFD000  }
0x5c: {  	[tilespmem:s9], [sflag:$0x2] =	stream.indirect.gather [spmem:s3], $0x80, s26, s22, $0xb8;
	[tilespmem:$0x10800] =	vst v63  }
0x5d: {  	_ =	swait.ge [sflag:s18], $0x4000  }
0x5e: {  	[sflag:s18] =	ssyncset.done $0x0  }
0x5f: {  	s0 =	rddreg [dreg:$0xf];
	[sflag:s18] =	ssyncadd.s32 $0xFFFFC000  }
0x60: {  	[hbm4b:s0+s2] =	stream.linear.scatter [tilespmem:s16], [sflag:$0x8], $0x4000, $0x38;
	[tilespmem:$0x10800] =	vst v63  }
0x61: {  	s1 =	rddreg [dreg:$0x10]  }
0x62: {  	[hbm4b:s1+s2] =	stream.linear.scatter [tilespmem:s16], [sflag:$0xC], $0x4000, $0x38;
	[tilespmem:$0x10800] =	vst v63  }
0x63: {  	_ =	swait.ge [sflag:s14], $0x4000  }
0x64: {  	[sflag:s14] =	ssyncset.done $0x0  }
0x65: {  	[sflag:s14] =	ssyncadd.s32 $0xFFFFC000  }
0x66: {  	_ =	swait.ge [sflag:s12], $0x4000  }
0x67: {  	[sflag:s12] =	ssyncset.done $0x0  }
0x68: {  	[sflag:s12] =	ssyncadd.s32 $0xFFFFC000  }
0x69: {  	[tilespmem:s19], [sflag:$0x3] =	stream.indirect.gather [spmem:s3], $0x80, s29, s22, $0xb8;
	[tilespmem:$0x10800] =	vst v63  }
0x6a: {  	_ =	swait.ge [sflag:s10], $0x4000  }
0x6b: {  	[sflag:s10] =	ssyncset.done $0x0  }
0x6c: {  	s0 =	rddreg [dreg:$0x11];
	[sflag:s10] =	ssyncadd.s32 $0xFFFFC000  }
0x6d: {  	[hbm4b:s0+s2] =	stream.linear.scatter [tilespmem:s11], [sflag:$0x5], $0x4000, $0x38;
	[tilespmem:$0x10800] =	vst v63  }
0x6e: {  	s1 =	rddreg [dreg:$0x12]  }
0x6f: {  	[hbm4b:s1+s2] =	stream.linear.scatter [tilespmem:s11], [sflag:$0x9], $0x4000, $0x38;
	[tilespmem:$0x10800] =	vst v63  }
0x70: {  	_ =	swait.ge [sflag:s15], $0x4000  }
0x71: {  	[sflag:s15] =	ssyncset.done $0x0  }
0x72: {  	[sflag:s15] =	ssyncadd.s32 $0xFFFFC000  }
0x73: {  	_ =	swait.ge [sflag:s13], $0x4000  }
0x74: {  	[sflag:s13] =	ssyncset.done $0x0  }
0x75: {  	[sflag:s13] =	ssyncadd.s32 $0xFFFFC000  }
0x76: {  	[tilespmem:s16], [sflag:$0x4] =	stream.indirect.gather [spmem:s3], $0x80, s28, s22, $0xb8;
	[tilespmem:$0x10800] =	vst v63  }
0x77: {  	_ =	swait.ge [sflag:s8], $0x4000  }
0x78: {  	[sflag:s8] =	ssyncset.done $0x0  }
0x79: {  	s0 =	rddreg [dreg:$0x13];
	[sflag:s8] =	ssyncadd.s32 $0xFFFFC000  }
0x7a: {  	[hbm4b:s0+s2] =	stream.linear.scatter [tilespmem:s9], [sflag:$0x6], $0x4000, $0x38;
	[tilespmem:$0x10800] =	vst v63  }
0x7b: {  	s1 =	rddreg [dreg:$0x14]  }
0x7c: {  	[hbm4b:s1+s2] =	stream.linear.scatter [tilespmem:s9], [sflag:$0xA], $0x4000, $0x38;
	[tilespmem:$0x10800] =	vst v63  }
0x7d: {  	_ =	swait.ge [sflag:s7], $0x4000  }
0x7e: {  	[sflag:s7] =	ssyncset.done $0x0  }
0x7f: {  	[sflag:s7] =	ssyncadd.s32 $0xFFFFC000  }
0x80: {  	_ =	swait.ge [sflag:s5], $0x4000  }
0x81: {  	[sflag:s5] =	ssyncset.done $0x0  }
0x82: {  	[sflag:s5] =	ssyncadd.s32 $0xFFFFC000  }
0x83: {  	[tilespmem:s11], [sflag:$0x1] =	stream.indirect.gather [spmem:s3], $0x80, s25, s20, $0xb8;
	[tilespmem:$0x10800] =	vst v63  }
0x84: {  	_ =	swait.ge [sflag:s21], $0x4000  }
0x85: {  	[sflag:s21] =	ssyncset.done $0x0  }
0x86: {  	s0 =	rddreg [dreg:$0x15];
	[sflag:s21] =	ssyncadd.s32 $0xFFFFC000  }
0x87: {  	[hbm4b:s0+s2] =	stream.linear.scatter [tilespmem:s19], [sflag:$0x7], $0x4000, $0x38;
	[tilespmem:$0x10800] =	vst v63  }
0x88: {  	s1 =	rddreg [dreg:$0x16]  }
0x89: {  	[hbm4b:s1+s2] =	stream.linear.scatter [tilespmem:s19], [sflag:$0xB], $0x4000, $0x38;
	[tilespmem:$0x10800] =	vst v63  }
0x8a: {  	_ =	swait.ge [sflag:s6], $0x4000  }
0x8b: {  	[sflag:s6] =	ssyncset.done $0x0  }
0x8c: {  	[sflag:s6] =	ssyncadd.s32 $0xFFFFC000  }
0x8d: {  	_ =	swait.ge [sflag:s4], $0x4000  }
0x8e: {  	[sflag:s4] =	ssyncset.done $0x0  }
0x8f: {  	[sflag:s4] =	ssyncadd.s32 $0xFFFFC000  }
0x90: {  	[tilespmem:s9], [sflag:$0x2] =	stream.indirect.gather [spmem:s3], $0x80, s24, s17, $0xb8;
	[tilespmem:$0x10800] =	vst v63  }
0x91: {  	_ =	swait.ge [sflag:s18], $0x4000  }
0x92: {  	[sflag:s18] =	ssyncset.done $0x0  }
0x93: {  	s0 =	rddreg [dreg:$0x17];
	[sflag:s18] =	ssyncadd.s32 $0xFFFFC000  }
0x94: {  	[hbm4b:s0+s2] =	stream.linear.scatter [tilespmem:s16], [sflag:$0x8], $0x4000, $0x38;
	[tilespmem:$0x10800] =	vst v63  }
0x95: {  	s1 =	rddreg [dreg:$0x18]  }
0x96: {  	[hbm4b:s1+s2] =	stream.linear.scatter [tilespmem:s16], [sflag:$0xC], $0x4000, $0x38;
	[tilespmem:$0x10800] =	vst v63  }
0x97: {  	_ =	swait.ge [sflag:s10], $0x3000  }
0x98: {  	[sflag:s10] =	ssyncset.done $0x0  }
0x99: {  	s0 =	rddreg [dreg:$0x19];
	[sflag:s10] =	ssyncadd.s32 $0xFFFFD000  }
0x9a: {  	[hbm4b:s0+s2] =	stream.linear.scatter [tilespmem:s11], [sflag:$0x5], $0x3000, $0x38;
	[tilespmem:$0x10800] =	vst v63  }
0x9b: {  	s1 =	rddreg [dreg:$0x1a]  }
0x9c: {  	[hbm4b:s1+s2] =	stream.linear.scatter [tilespmem:s11], [sflag:$0x9], $0x3000, $0x38;
	[tilespmem:$0x10800] =	vst v63  }
0x9d: {  	_ =	swait.ge [sflag:s8], $0x1000  }
0x9e: {  	[sflag:s8] =	ssyncset.done $0x0  }
0x9f: {  	s0 =	rddreg [dreg:$0x1b];
	[sflag:s8] =	ssyncadd.s32 $0xFFFFF000  }
0xa0: {  	[hbm4b:s0+s2] =	stream.linear.scatter [tilespmem:s9], [sflag:$0x6], $0x1000, $0x38;
	[tilespmem:$0x10800] =	vst v63  }
0xa1: {  	s1 =	rddreg [dreg:$0x1c]  }
0xa2: {  	[hbm4b:s1+s2] =	stream.linear.scatter [tilespmem:s9], [sflag:$0xA], $0x1000, $0x38;
	[tilespmem:$0x10800] =	vst v63  }
0xa3: {  	_ =	swait.ge [sflag:s14], $0x4000  }
0xa4: {  	[sflag:s14] =	ssyncset.done $0x0  }
0xa5: {  	[sflag:s14] =	ssyncadd.s32 $0xFFFFC000  }
0xa6: {  	_ =	swait.ge [sflag:s12], $0x4000  }
0xa7: {  	[sflag:s12] =	ssyncset.done $0x0  }
0xa8: {  	[sflag:s12] =	ssyncadd.s32 $0xFFFFC000  }
0xa9: {  	_ =	swait.ge [sflag:s15], $0x4000  }
0xaa: {  	[sflag:s15] =	ssyncset.done $0x0  }
0xab: {  	[sflag:s15] =	ssyncadd.s32 $0xFFFFC000  }
0xac: {  	_ =	swait.ge [sflag:s13], $0x4000  }
0xad: {  	[sflag:s13] =	ssyncset.done $0x0  }
0xae: {  	[sflag:s13] =	ssyncadd.s32 $0xFFFFC000  }
0xaf: {  	_ =	swait.ge [sflag:s7], $0x3000  }
0xb0: {  	[sflag:s7] =	ssyncset.done $0x0  }
0xb1: {  	[sflag:s7] =	ssyncadd.s32 $0xFFFFD000  }
0xb2: {  	_ =	swait.ge [sflag:s5], $0x3000  }
0xb3: {  	[sflag:s5] =	ssyncset.done $0x0  }
0xb4: {  	p1 =	sne.s32 s23, $0x1;
	[sflag:s5] =	ssyncadd.s32 $0xFFFFD000  }
.Ltmp1:
0xb5: {  	_ =	swait.ge [sflag:s6], $0x1000;
	(pc) =	sbr.rel @!p1 .LBB2_3-.Ltmp1, $4  }
0xb6: {  	[sflag:s6] =	ssyncset.done $0x0  }
0xb7: {  	[sflag:s6] =	ssyncadd.s32 $0xFFFFF000  }
0xb8: {  	p0 =	por $0x1, $0x1;
	_ =	swait.ge [sflag:s4], $0x1000  }
0xb9: {  	s0 =	sadd.s32 $0xFFFFFFFF, s23;
	s1 =	rddreg [dreg:$0x6];
	[sflag:s4] =	ssyncset.done $0x0  }
.LBB2_4:
0xba: {  	s23 =	rddreg [dreg:$0x7];
	[sflag:s4] =	ssyncadd.s32 $0xFFFFF000  }
0xbb: {  	[spmem:s31], [sflag:s23] =	dma.local [hbm:s1], $0x80  }
0xbc: {  	s1 =	rddreg [dreg:$0x8]  }
0xbd: {  	[tilespmem:s2], [sflag:$0x2] =	stream.strided.gather [hbm4b:s1+s22], $0x400, s26, s22, $0x38;
	[tilespmem:$0x10800] =	vst v63  }
0xbe: {  	_ =	swait.ge [sflag:s10], $0x80  }
0xbf: {  	[sflag:s10] =	ssyncset.done $0x0  }
0xc0: {  	[sflag:s10] =	ssyncadd.s32 $0xFFFFFF80  }
0xc1: {  	_ =	swait.ge [sflag:s8], $0x400  }
0xc2: {  	[sflag:s8] =	ssyncset.done $0x0  }
0xc3: {  	[sflag:s8] =	ssyncadd.s32 $0xFFFFFC00  }
0xc4: {  	[bflag:$0x0] =	sbarrier.arrive $0xFFFF  }
0xc5: {  	[tilespmem:s11], [sflag:$0x1] =	stream.indirect.gather [spmem:s3], $0x80, s2, s17, $0xb8;
	[tilespmem:$0x10800] =	vst v63  }
0xc6: {  	_ = 	snop  }
0xc7: {  	[tilespmem:s9], [sflag:$0x2] =	stream.indirect.gather [spmem:s3], $0x80, s17, s20, $0xb8;
	[tilespmem:$0x10800] =	vst v63  }
0xc8: {  	_ = 	snop  }
0xc9: {  	[tilespmem:s19], [sflag:$0x3] =	stream.indirect.gather [spmem:s3], $0x80, s22, s22, $0xb8;
	[tilespmem:$0x10800] =	vst v63  }
0xca: {  	_ =	swait.ge [sflag:s10], $0x1000  }
0xcb: {  	[sflag:s10] =	ssyncset.done $0x0  }
0xcc: {  	s1 =	rddreg [dreg:$0x9];
	[sflag:s10] =	ssyncadd.s32 $0xFFFFF000  }
0xcd: {  	[hbm4b:s1+s2] =	stream.linear.scatter [tilespmem:s11], [sflag:$0x5], $0x1000, $0x38;
	[tilespmem:$0x10800] =	vst v63  }
0xce: {  	s23 =	rddreg [dreg:$0xa]  }
0xcf: {  	[hbm4b:s23+s2] =	stream.linear.scatter [tilespmem:s11], [sflag:$0x9], $0x1000, $0x38;
	[tilespmem:$0x10800] =	vst v63  }
0xd0: {  	s23 =	simm.s32 $0x100  }
0xd1: {  	[tilespmem:s16], [sflag:$0x4] =	stream.indirect.gather [spmem:s3], $0x80, s23, s22, $0xb8;
	[tilespmem:$0x10800] =	vst v63  }
0xd2: {  	_ =	swait.ge [sflag:s8], $0x3000  }
0xd3: {  	[sflag:s8] =	ssyncset.done $0x0  }
0xd4: {  	s1 =	rddreg [dreg:$0xb];
	[sflag:s8] =	ssyncadd.s32 $0xFFFFD000  }
0xd5: {  	[hbm4b:s1+s2] =	stream.linear.scatter [tilespmem:s9], [sflag:$0x6], $0x3000, $0x38;
	[tilespmem:$0x10800] =	vst v63  }
0xd6: {  	s23 =	rddreg [dreg:$0xc]  }
0xd7: {  	[hbm4b:s23+s2] =	stream.linear.scatter [tilespmem:s9], [sflag:$0xA], $0x3000, $0x38;
	[tilespmem:$0x10800] =	vst v63  }
0xd8: {  	_ =	swait.ge [sflag:s7], $0x1000  }
0xd9: {  	[sflag:s7] =	ssyncset.done $0x0  }
0xda: {  	[sflag:s7] =	ssyncadd.s32 $0xFFFFF000  }
0xdb: {  	_ =	swait.ge [sflag:s5], $0x1000  }
0xdc: {  	[sflag:s5] =	ssyncset.done $0x0  }
0xdd: {  	[sflag:s5] =	ssyncadd.s32 $0xFFFFF000  }
0xde: {  	[tilespmem:s11], [sflag:$0x1] =	stream.indirect.gather [spmem:s3], $0x80, s30, s22, $0xb8;
	[tilespmem:$0x10800] =	vst v63  }
0xdf: {  	_ =	swait.ge [sflag:s21], $0x4000  }
0xe0: {  	[sflag:s21] =	ssyncset.done $0x0  }
0xe1: {  	s1 =	rddreg [dreg:$0xd];
	[sflag:s21] =	ssyncadd.s32 $0xFFFFC000  }
0xe2: {  	[hbm4b:s1+s2] =	stream.linear.scatter [tilespmem:s19], [sflag:$0x7], $0x4000, $0x38;
	[tilespmem:$0x10800] =	vst v63  }
0xe3: {  	s23 =	rddreg [dreg:$0xe]  }
0xe4: {  	[hbm4b:s23+s2] =	stream.linear.scatter [tilespmem:s19], [sflag:$0xB], $0x4000, $0x38;
	[tilespmem:$0x10800] =	vst v63  }
0xe5: {  	_ =	swait.ge [sflag:s6], $0x3000  }
0xe6: {  	[sflag:s6] =	ssyncset.done $0x0  }
0xe7: {  	[sflag:s6] =	ssyncadd.s32 $0xFFFFD000  }
0xe8: {  	_ =	swait.ge [sflag:s4], $0x3000  }
0xe9: {  	[sflag:s4] =	ssyncset.done $0x0  }
0xea: {  	[sflag:s4] =	ssyncadd.s32 $0xFFFFD000  }
0xeb: {  	[tilespmem:s9], [sflag:$0x2] =	stream.indirect.gather [spmem:s3], $0x80, s26, s22, $0xb8;
	[tilespmem:$0x10800] =	vst v63  }
0xec: {  	_ =	swait.ge [sflag:s18], $0x4000  }
0xed: {  	[sflag:s18] =	ssyncset.done $0x0  }
0xee: {  	s1 =	rddreg [dreg:$0xf];
	[sflag:s18] =	ssyncadd.s32 $0xFFFFC000  }
0xef: {  	[hbm4b:s1+s2] =	stream.linear.scatter [tilespmem:s16], [sflag:$0x8], $0x4000, $0x38;
	[tilespmem:$0x10800] =	vst v63  }
0xf0: {  	s23 =	rddreg [dreg:$0x10]  }
0xf1: {  	[hbm4b:s23+s2] =	stream.linear.scatter [tilespmem:s16], [sflag:$0xC], $0x4000, $0x38;
	[tilespmem:$0x10800] =	vst v63  }
0xf2: {  	_ =	swait.ge [sflag:s14], $0x4000  }
0xf3: {  	[sflag:s14] =	ssyncset.done $0x0  }
0xf4: {  	[sflag:s14] =	ssyncadd.s32 $0xFFFFC000  }
0xf5: {  	_ =	swait.ge [sflag:s12], $0x4000  }
0xf6: {  	[sflag:s12] =	ssyncset.done $0x0  }
0xf7: {  	[sflag:s12] =	ssyncadd.s32 $0xFFFFC000  }
0xf8: {  	[tilespmem:s19], [sflag:$0x3] =	stream.indirect.gather [spmem:s3], $0x80, s29, s22, $0xb8;
	[tilespmem:$0x10800] =	vst v63  }
0xf9: {  	_ =	swait.ge [sflag:s10], $0x4000  }
0xfa: {  	[sflag:s10] =	ssyncset.done $0x0  }
0xfb: {  	s1 =	rddreg [dreg:$0x11];
	[sflag:s10] =	ssyncadd.s32 $0xFFFFC000  }
0xfc: {  	[hbm4b:s1+s2] =	stream.linear.scatter [tilespmem:s11], [sflag:$0x5], $0x4000, $0x38;
	[tilespmem:$0x10800] =	vst v63  }
0xfd: {  	s23 =	rddreg [dreg:$0x12]  }
0xfe: {  	[hbm4b:s23+s2] =	stream.linear.scatter [tilespmem:s11], [sflag:$0x9], $0x4000, $0x38;
	[tilespmem:$0x10800] =	vst v63  }
0xff: {  	_ =	swait.ge [sflag:s15], $0x4000  }
0x100: {  	[sflag:s15] =	ssyncset.done $0x0  }
0x101: {  	[sflag:s15] =	ssyncadd.s32 $0xFFFFC000  }
0x102: {  	_ =	swait.ge [sflag:s13], $0x4000  }
0x103: {  	[sflag:s13] =	ssyncset.done $0x0  }
0x104: {  	[sflag:s13] =	ssyncadd.s32 $0xFFFFC000  }
0x105: {  	[tilespmem:s16], [sflag:$0x4] =	stream.indirect.gather [spmem:s3], $0x80, s28, s22, $0xb8;
	[tilespmem:$0x10800] =	vst v63  }
0x106: {  	_ =	swait.ge [sflag:s8], $0x4000  }
0x107: {  	[sflag:s8] =	ssyncset.done $0x0  }
0x108: {  	s1 =	rddreg [dreg:$0x13];
	[sflag:s8] =	ssyncadd.s32 $0xFFFFC000  }
0x109: {  	[hbm4b:s1+s2] =	stream.linear.scatter [tilespmem:s9], [sflag:$0x6], $0x4000, $0x38;
	[tilespmem:$0x10800] =	vst v63  }
0x10a: {  	s23 =	rddreg [dreg:$0x14]  }
0x10b: {  	[hbm4b:s23+s2] =	stream.linear.scatter [tilespmem:s9], [sflag:$0xA], $0x4000, $0x38;
	[tilespmem:$0x10800] =	vst v63  }
0x10c: {  	_ =	swait.ge [sflag:s7], $0x4000  }
0x10d: {  	[sflag:s7] =	ssyncset.done $0x0  }
0x10e: {  	[sflag:s7] =	ssyncadd.s32 $0xFFFFC000  }
0x10f: {  	_ =	swait.ge [sflag:s5], $0x4000  }
0x110: {  	[sflag:s5] =	ssyncset.done $0x0  }
0x111: {  	[sflag:s5] =	ssyncadd.s32 $0xFFFFC000  }
0x112: {  	[tilespmem:s11], [sflag:$0x1] =	stream.indirect.gather [spmem:s3], $0x80, s25, s20, $0xb8;
	[tilespmem:$0x10800] =	vst v63  }
0x113: {  	_ =	swait.ge [sflag:s21], $0x4000  }
0x114: {  	[sflag:s21] =	ssyncset.done $0x0  }
0x115: {  	s1 =	rddreg [dreg:$0x15];
	[sflag:s21] =	ssyncadd.s32 $0xFFFFC000  }
0x116: {  	[hbm4b:s1+s2] =	stream.linear.scatter [tilespmem:s19], [sflag:$0x7], $0x4000, $0x38;
	[tilespmem:$0x10800] =	vst v63  }
0x117: {  	s23 =	rddreg [dreg:$0x16]  }
0x118: {  	[hbm4b:s23+s2] =	stream.linear.scatter [tilespmem:s19], [sflag:$0xB], $0x4000, $0x38;
	[tilespmem:$0x10800] =	vst v63  }
0x119: {  	_ =	swait.ge [sflag:s6], $0x4000  }
0x11a: {  	[sflag:s6] =	ssyncset.done $0x0  }
0x11b: {  	[sflag:s6] =	ssyncadd.s32 $0xFFFFC000  }
0x11c: {  	_ =	swait.ge [sflag:s4], $0x4000  }
0x11d: {  	[sflag:s4] =	ssyncset.done $0x0  }
0x11e: {  	[sflag:s4] =	ssyncadd.s32 $0xFFFFC000  }
0x11f: {  	[tilespmem:s9], [sflag:$0x2] =	stream.indirect.gather [spmem:s3], $0x80, s24, s17, $0xb8;
	[tilespmem:$0x10800] =	vst v63  }
0x120: {  	_ =	swait.ge [sflag:s18], $0x4000  }
0x121: {  	[sflag:s18] =	ssyncset.done $0x0  }
0x122: {  	s1 =	rddreg [dreg:$0x17];
	[sflag:s18] =	ssyncadd.s32 $0xFFFFC000  }
0x123: {  	[hbm4b:s1+s2] =	stream.linear.scatter [tilespmem:s16], [sflag:$0x8], $0x4000, $0x38;
	[tilespmem:$0x10800] =	vst v63  }
0x124: {  	s23 =	rddreg [dreg:$0x18]  }
0x125: {  	[hbm4b:s23+s2] =	stream.linear.scatter [tilespmem:s16], [sflag:$0xC], $0x4000, $0x38;
	[tilespmem:$0x10800] =	vst v63  }
0x126: {  	_ =	swait.ge [sflag:s10], $0x3000  }
0x127: {  	[sflag:s10] =	ssyncset.done $0x0  }
0x128: {  	s1 =	rddreg [dreg:$0x19];
	[sflag:s10] =	ssyncadd.s32 $0xFFFFD000  }
0x129: {  	[hbm4b:s1+s2] =	stream.linear.scatter [tilespmem:s11], [sflag:$0x5], $0x3000, $0x38;
	[tilespmem:$0x10800] =	vst v63  }
0x12a: {  	s23 =	rddreg [dreg:$0x1a]  }
0x12b: {  	[hbm4b:s23+s2] =	stream.linear.scatter [tilespmem:s11], [sflag:$0x9], $0x3000, $0x38;
	[tilespmem:$0x10800] =	vst v63  }
0x12c: {  	_ =	swait.ge [sflag:s8], $0x1000  }
0x12d: {  	[sflag:s8] =	ssyncset.done $0x0  }
0x12e: {  	s1 =	rddreg [dreg:$0x1b];
	[sflag:s8] =	ssyncadd.s32 $0xFFFFF000  }
0x12f: {  	[hbm4b:s1+s2] =	stream.linear.scatter [tilespmem:s9], [sflag:$0x6], $0x1000, $0x38;
	[tilespmem:$0x10800] =	vst v63  }
0x130: {  	s23 =	rddreg [dreg:$0x1c]  }
0x131: {  	[hbm4b:s23+s2] =	stream.linear.scatter [tilespmem:s9], [sflag:$0xA], $0x1000, $0x38;
	[tilespmem:$0x10800] =	vst v63  }
0x132: {  	_ =	swait.ge [sflag:s14], $0x4000  }
0x133: {  	[sflag:s14] =	ssyncset.done $0x0  }
0x134: {  	[sflag:s14] =	ssyncadd.s32 $0xFFFFC000  }
0x135: {  	_ =	swait.ge [sflag:s12], $0x4000  }
0x136: {  	[sflag:s12] =	ssyncset.done $0x0  }
0x137: {  	[sflag:s12] =	ssyncadd.s32 $0xFFFFC000  }
0x138: {  	_ =	swait.ge [sflag:s15], $0x4000  }
0x139: {  	[sflag:s15] =	ssyncset.done $0x0  }
0x13a: {  	[sflag:s15] =	ssyncadd.s32 $0xFFFFC000  }
0x13b: {  	_ =	swait.ge [sflag:s13], $0x4000  }
0x13c: {  	[sflag:s13] =	ssyncset.done $0x0  }
0x13d: {  	[sflag:s13] =	ssyncadd.s32 $0xFFFFC000  }
0x13e: {  	_ =	swait.ge [sflag:s7], $0x3000  }
0x13f: {  	[sflag:s7] =	ssyncset.done $0x0  }
0x140: {  	[sflag:s7] =	ssyncadd.s32 $0xFFFFD000  }
0x141: {  	_ =	swait.ge [sflag:s5], $0x3000  }
0x142: {  	[sflag:s5] =	ssyncset.done $0x0  }
0x143: {  	p1 =	sne.s32 s0, $0x1;
	[sflag:s5] =	ssyncadd.s32 $0xFFFFD000  }
.Ltmp2:
0x144: {  	_ =	swait.ge [sflag:s6], $0x1000;
	(pc) =	sbr.rel @p1 .LBB2_4-.Ltmp2, $4  }
0x145: {  	[sflag:s6] =	ssyncset.done $0x0  }
0x146: {  	[sflag:s6] =	ssyncadd.s32 $0xFFFFF000  }
0x147: {  	_ =	swait.ge [sflag:s4], $0x1000  }
0x148: {  	s0 =	sadd.s32 $0xFFFFFFFF, s0;
	s1 =	rddreg [dreg:$0x6];
	[sflag:s4] =	ssyncset.done $0x0  }
0x149: {  	s24 =	simm.s32 $0x100;
	s30 =	simm.s32 $0x180;
	s29 =	simm.s32 $0x280  }
0x14a: {  	s28 =	simm.s32 $0x300;
	s25 =	simm.s32 $0x380;
	s23 =	rddreg [dreg:$0x5]  }
.LBB2_6:
0x14b: {  	s0 =	rddreg [dreg:$0x7];
	[sflag:s4] =	ssyncadd.s32 @p0 $0xFFFFF000  }
0x14c: {  	[spmem:s31], [sflag:s0] =	dma.local [hbm:s1], $0x80  }
0x14d: {  	s0 =	rddreg [dreg:$0x8]  }
0x14e: {  	[tilespmem:s2], [sflag:$0x2] =	stream.strided.gather [hbm4b:s0+s22], $0x400, s26, s22, $0x38;
	[tilespmem:$0x10800] =	vst v63  }
0x14f: {  	_ =	swait.ge [sflag:s10], $0x80  }
0x150: {  	[sflag:s10] =	ssyncset.done $0x0  }
0x151: {  	[sflag:s10] =	ssyncadd.s32 $0xFFFFFF80  }
0x152: {  	_ =	swait.ge [sflag:s8], $0x400  }
0x153: {  	[sflag:s8] =	ssyncset.done $0x0  }
0x154: {  	[sflag:s8] =	ssyncadd.s32 $0xFFFFFC00  }
0x155: {  	[bflag:$0x0] =	sbarrier.arrive $0xFFFF  }
0x156: {  	[tilespmem:s11], [sflag:$0x1] =	stream.indirect.gather [spmem:s3], $0x80, s2, s17, $0xb8;
	[tilespmem:$0x10800] =	vst v63  }
0x157: {  	_ = 	snop  }
0x158: {  	[tilespmem:s9], [sflag:$0x2] =	stream.indirect.gather [spmem:s3], $0x80, s17, s20, $0xb8;
	[tilespmem:$0x10800] =	vst v63  }
0x159: {  	_ = 	snop  }
0x15a: {  	[tilespmem:s19], [sflag:$0x3] =	stream.indirect.gather [spmem:s3], $0x80, s22, s22, $0xb8;
	[tilespmem:$0x10800] =	vst v63  }
0x15b: {  	_ =	swait.ge [sflag:s10], $0x1000  }
0x15c: {  	[sflag:s10] =	ssyncset.done $0x0  }
0x15d: {  	s1 =	rddreg [dreg:$0x9];
	[sflag:s10] =	ssyncadd.s32 $0xFFFFF000  }
0x15e: {  	[hbm4b:s1+s2] =	stream.linear.scatter [tilespmem:s11], [sflag:$0x5], $0x1000, $0x38;
	[tilespmem:$0x10800] =	vst v63  }
0x15f: {  	s31 =	rddreg [dreg:$0xa]  }
0x160: {  	[hbm4b:s31+s2] =	stream.linear.scatter [tilespmem:s11], [sflag:$0x9], $0x1000, $0x38;
	[tilespmem:$0x10800] =	vst v63  }
0x161: {  	_ = 	snop  }
0x162: {  	[tilespmem:s16], [sflag:$0x4] =	stream.indirect.gather [spmem:s3], $0x80, s24, s22, $0xb8;
	[tilespmem:$0x10800] =	vst v63  }
0x163: {  	_ =	swait.ge [sflag:s8], $0x3000  }
0x164: {  	[sflag:s8] =	ssyncset.done $0x0  }
0x165: {  	s1 =	rddreg [dreg:$0xb];
	[sflag:s8] =	ssyncadd.s32 $0xFFFFD000  }
0x166: {  	[hbm4b:s1+s2] =	stream.linear.scatter [tilespmem:s9], [sflag:$0x6], $0x3000, $0x38;
	[tilespmem:$0x10800] =	vst v63  }
0x167: {  	s24 =	rddreg [dreg:$0xc]  }
0x168: {  	[hbm4b:s24+s2] =	stream.linear.scatter [tilespmem:s9], [sflag:$0xA], $0x3000, $0x38;
	[tilespmem:$0x10800] =	vst v63  }
0x169: {  	_ =	swait.ge [sflag:s7], $0x1000  }
0x16a: {  	[sflag:s7] =	ssyncset.done $0x0  }
0x16b: {  	[sflag:s7] =	ssyncadd.s32 $0xFFFFF000  }
0x16c: {  	_ =	swait.ge [sflag:s5], $0x1000  }
0x16d: {  	[sflag:s5] =	ssyncset.done $0x0  }
0x16e: {  	[sflag:s5] =	ssyncadd.s32 $0xFFFFF000  }
0x16f: {  	[tilespmem:s11], [sflag:$0x1] =	stream.indirect.gather [spmem:s3], $0x80, s30, s22, $0xb8;
	[tilespmem:$0x10800] =	vst v63  }
0x170: {  	_ =	swait.ge [sflag:s21], $0x4000  }
0x171: {  	[sflag:s21] =	ssyncset.done $0x0  }
0x172: {  	s30 =	rddreg [dreg:$0xd];
	[sflag:s21] =	ssyncadd.s32 $0xFFFFC000  }
0x173: {  	[hbm4b:s30+s2] =	stream.linear.scatter [tilespmem:s19], [sflag:$0x7], $0x4000, $0x38;
	[tilespmem:$0x10800] =	vst v63  }
0x174: {  	s31 =	rddreg [dreg:$0xe]  }
0x175: {  	[hbm4b:s31+s2] =	stream.linear.scatter [tilespmem:s19], [sflag:$0xB], $0x4000, $0x38;
	[tilespmem:$0x10800] =	vst v63  }
0x176: {  	_ =	swait.ge [sflag:s6], $0x3000  }
0x177: {  	[sflag:s6] =	ssyncset.done $0x0  }
0x178: {  	[sflag:s6] =	ssyncadd.s32 $0xFFFFD000  }
0x179: {  	_ =	swait.ge [sflag:s4], $0x3000  }
0x17a: {  	[sflag:s4] =	ssyncset.done $0x0  }
0x17b: {  	[sflag:s4] =	ssyncadd.s32 $0xFFFFD000  }
0x17c: {  	[tilespmem:s9], [sflag:$0x2] =	stream.indirect.gather [spmem:s3], $0x80, s26, s22, $0xb8;
	[tilespmem:$0x10800] =	vst v63  }
0x17d: {  	_ =	swait.ge [sflag:s18], $0x4000  }
0x17e: {  	[sflag:s18] =	ssyncset.done $0x0  }
0x17f: {  	s1 =	rddreg [dreg:$0xf];
	[sflag:s18] =	ssyncadd.s32 $0xFFFFC000  }
0x180: {  	[hbm4b:s1+s2] =	stream.linear.scatter [tilespmem:s16], [sflag:$0x8], $0x4000, $0x38;
	[tilespmem:$0x10800] =	vst v63  }
0x181: {  	s24 =	rddreg [dreg:$0x10]  }
0x182: {  	[hbm4b:s24+s2] =	stream.linear.scatter [tilespmem:s16], [sflag:$0xC], $0x4000, $0x38;
	[tilespmem:$0x10800] =	vst v63  }
0x183: {  	_ =	swait.ge [sflag:s14], $0x4000  }
0x184: {  	[sflag:s14] =	ssyncset.done $0x0  }
0x185: {  	[sflag:s14] =	ssyncadd.s32 $0xFFFFC000  }
0x186: {  	_ =	swait.ge [sflag:s12], $0x4000  }
0x187: {  	[sflag:s12] =	ssyncset.done $0x0  }
0x188: {  	[sflag:s12] =	ssyncadd.s32 $0xFFFFC000  }
0x189: {  	[tilespmem:s19], [sflag:$0x3] =	stream.indirect.gather [spmem:s3], $0x80, s29, s22, $0xb8;
	[tilespmem:$0x10800] =	vst v63  }
0x18a: {  	_ =	swait.ge [sflag:s10], $0x4000  }
0x18b: {  	[sflag:s10] =	ssyncset.done $0x0  }
0x18c: {  	s26 =	rddreg [dreg:$0x11];
	[sflag:s10] =	ssyncadd.s32 $0xFFFFC000  }
0x18d: {  	[hbm4b:s26+s2] =	stream.linear.scatter [tilespmem:s11], [sflag:$0x5], $0x4000, $0x38;
	[tilespmem:$0x10800] =	vst v63  }
0x18e: {  	s29 =	rddreg [dreg:$0x12]  }
0x18f: {  	[hbm4b:s29+s2] =	stream.linear.scatter [tilespmem:s11], [sflag:$0x9], $0x4000, $0x38;
	[tilespmem:$0x10800] =	vst v63  }
0x190: {  	_ =	swait.ge [sflag:s15], $0x4000  }
0x191: {  	[sflag:s15] =	ssyncset.done $0x0  }
0x192: {  	[sflag:s15] =	ssyncadd.s32 $0xFFFFC000  }
0x193: {  	_ =	swait.ge [sflag:s13], $0x4000  }
0x194: {  	[sflag:s13] =	ssyncset.done $0x0  }
0x195: {  	[sflag:s13] =	ssyncadd.s32 $0xFFFFC000  }
0x196: {  	[tilespmem:s16], [sflag:$0x4] =	stream.indirect.gather [spmem:s3], $0x80, s28, s22, $0xb8;
	[tilespmem:$0x10800] =	vst v63  }
0x197: {  	_ =	swait.ge [sflag:s8], $0x4000  }
0x198: {  	[sflag:s8] =	ssyncset.done $0x0  }
0x199: {  	s30 =	rddreg [dreg:$0x13];
	[sflag:s8] =	ssyncadd.s32 $0xFFFFC000  }
0x19a: {  	[hbm4b:s30+s2] =	stream.linear.scatter [tilespmem:s9], [sflag:$0x6], $0x4000, $0x38;
	[tilespmem:$0x10800] =	vst v63  }
0x19b: {  	s31 =	rddreg [dreg:$0x14]  }
0x19c: {  	[hbm4b:s31+s2] =	stream.linear.scatter [tilespmem:s9], [sflag:$0xA], $0x4000, $0x38;
	[tilespmem:$0x10800] =	vst v63  }
0x19d: {  	_ =	swait.ge [sflag:s7], $0x4000  }
0x19e: {  	[sflag:s7] =	ssyncset.done $0x0  }
0x19f: {  	[sflag:s7] =	ssyncadd.s32 $0xFFFFC000  }
0x1a0: {  	_ =	swait.ge [sflag:s5], $0x4000  }
0x1a1: {  	[sflag:s5] =	ssyncset.done $0x0  }
0x1a2: {  	[sflag:s5] =	ssyncadd.s32 $0xFFFFC000  }
0x1a3: {  	[tilespmem:s11], [sflag:$0x1] =	stream.indirect.gather [spmem:s3], $0x80, s25, s20, $0xb8;
	[tilespmem:$0x10800] =	vst v63  }
0x1a4: {  	_ =	swait.ge [sflag:s21], $0x4000  }
0x1a5: {  	[sflag:s21] =	ssyncset.done $0x0  }
0x1a6: {  	s20 =	rddreg [dreg:$0x15];
	[sflag:s21] =	ssyncadd.s32 $0xFFFFC000  }
0x1a7: {  	[hbm4b:s20+s2] =	stream.linear.scatter [tilespmem:s19], [sflag:$0x7], $0x4000, $0x38;
	[tilespmem:$0x10800] =	vst v63  }
0x1a8: {  	s21 =	rddreg [dreg:$0x16]  }
0x1a9: {  	[hbm4b:s21+s2] =	stream.linear.scatter [tilespmem:s19], [sflag:$0xB], $0x4000, $0x38;
	[tilespmem:$0x10800] =	vst v63  }
0x1aa: {  	_ =	swait.ge [sflag:s6], $0x4000  }
0x1ab: {  	[sflag:s6] =	ssyncset.done $0x0  }
0x1ac: {  	[sflag:s6] =	ssyncadd.s32 $0xFFFFC000  }
0x1ad: {  	_ =	swait.ge [sflag:s4], $0x4000  }
0x1ae: {  	[sflag:s4] =	ssyncset.done $0x0  }
0x1af: {  	s22 =	simm.s32 $0x3E0;
	[sflag:s4] =	ssyncadd.s32 $0xFFFFC000  }
0x1b0: {  	[tilespmem:s9], [sflag:$0x2] =	stream.indirect.gather [spmem:s3], $0x80, s22, s17, $0xb8;
	[tilespmem:$0x10800] =	vst v63  }
0x1b1: {  	_ =	swait.ge [sflag:s18], $0x4000  }
0x1b2: {  	[sflag:s18] =	ssyncset.done $0x0  }
0x1b3: {  	s24 =	rddreg [dreg:$0x17];
	[sflag:s18] =	ssyncadd.s32 $0xFFFFC000  }
0x1b4: {  	[hbm4b:s24+s2] =	stream.linear.scatter [tilespmem:s16], [sflag:$0x8], $0x4000, $0x38;
	[tilespmem:$0x10800] =	vst v63  }
0x1b5: {  	s25 =	rddreg [dreg:$0x18]  }
0x1b6: {  	[hbm4b:s25+s2] =	stream.linear.scatter [tilespmem:s16], [sflag:$0xC], $0x4000, $0x38;
	[tilespmem:$0x10800] =	vst v63  }
0x1b7: {  	_ =	swait.ge [sflag:s10], $0x3000  }
0x1b8: {  	[sflag:s10] =	ssyncset.done $0x0  }
0x1b9: {  	s26 =	rddreg [dreg:$0x19];
	[sflag:s10] =	ssyncadd.s32 $0xFFFFD000  }
0x1ba: {  	[hbm4b:s26+s2] =	stream.linear.scatter [tilespmem:s11], [sflag:$0x5], $0x3000, $0x38;
	[tilespmem:$0x10800] =	vst v63  }
0x1bb: {  	s28 =	rddreg [dreg:$0x1a]  }
0x1bc: {  	[hbm4b:s28+s2] =	stream.linear.scatter [tilespmem:s11], [sflag:$0x9], $0x3000, $0x38;
	[tilespmem:$0x10800] =	vst v63  }
0x1bd: {  	_ =	swait.ge [sflag:s8], $0x1000  }
0x1be: {  	[sflag:s8] =	ssyncset.done $0x0  }
0x1bf: {  	s29 =	rddreg [dreg:$0x1b];
	[sflag:s8] =	ssyncadd.s32 $0xFFFFF000  }
0x1c0: {  	[hbm4b:s29+s2] =	stream.linear.scatter [tilespmem:s9], [sflag:$0x6], $0x1000, $0x38;
	[tilespmem:$0x10800] =	vst v63  }
0x1c1: {  	s30 =	rddreg [dreg:$0x1c]  }
0x1c2: {  	[hbm4b:s30+s2] =	stream.linear.scatter [tilespmem:s9], [sflag:$0xA], $0x1000, $0x38;
	[tilespmem:$0x10800] =	vst v63  }
0x1c3: {  	_ =	swait.ge [sflag:s14], $0x4000  }
0x1c4: {  	[sflag:s14] =	ssyncset.done $0x0  }
0x1c5: {  	[sflag:s14] =	ssyncadd.s32 $0xFFFFC000  }
0x1c6: {  	_ =	swait.ge [sflag:s12], $0x4000  }
0x1c7: {  	[sflag:s12] =	ssyncset.done $0x0  }
0x1c8: {  	[sflag:s12] =	ssyncadd.s32 $0xFFFFC000  }
0x1c9: {  	_ =	swait.ge [sflag:s15], $0x4000  }
0x1ca: {  	[sflag:s15] =	ssyncset.done $0x0  }
0x1cb: {  	[sflag:s15] =	ssyncadd.s32 $0xFFFFC000  }
0x1cc: {  	_ =	swait.ge [sflag:s13], $0x4000  }
0x1cd: {  	[sflag:s13] =	ssyncset.done $0x0  }
0x1ce: {  	[sflag:s13] =	ssyncadd.s32 $0xFFFFC000  }
0x1cf: {  	_ =	swait.ge [sflag:s7], $0x3000  }
0x1d0: {  	[sflag:s7] =	ssyncset.done $0x0  }
0x1d1: {  	[sflag:s7] =	ssyncadd.s32 $0xFFFFD000  }
0x1d2: {  	_ =	swait.ge [sflag:s5], $0x3000  }
0x1d3: {  	[sflag:s5] =	ssyncset.done $0x0  }
0x1d4: {  	[sflag:s5] =	ssyncadd.s32 $0xFFFFD000  }
0x1d5: {  	_ =	swait.ge [sflag:s6], $0x1000  }
0x1d6: {  	[sflag:s6] =	ssyncset.done $0x0  }
0x1d7: {  	[sflag:s6] =	ssyncadd.s32 $0xFFFFF000  }
0x1d8: {  	_ =	swait.ge [sflag:s4], $0x1000  }
0x1d9: {  	[sflag:s4] =	ssyncset.done $0x0  }
0x1da: {  	[sflag:s4] =	ssyncadd.s32 $0xFFFFF000  }
0x1db: {  	_ =	sfence.sel $0x180000  }
0x1dc: {  	s31 =	stileid.u32;
	[bflag:$0x0] =	sbarrier.arrive $0xFFFF  }
0x1dd: {  	p0 =	sne.s32 s31, $0x0;
	_ =	strace $0x90000047  }
0x1de: {  	s0 =	sadd.s32 @!p0 $0x100000, s23;
	[bflag:$0x2] =	sbarrier.arrive $0xFFFF  }
0x1df: {  	[sflag:s0] =	ssyncadd.tile.s32 @!p0 $0x1;
	_ =	shalt  }
.LBB2_1:
.Ltmp3:
0x1e0: {  	(pc) =	sbr.rel .LBB2_6-.Ltmp3, $3  }
0x1e1: {  	_ =	sdelay $0x1  }
0x1e2: {  	s24 =	simm.s32 $0x100;
	s30 =	simm.s32 $0x180  }
0x1e3: {  	s29 =	simm.s32 $0x280;
	s28 =	simm.s32 $0x300;
	s25 =	simm.s32 $0x380  }
.LBB2_3:
.Ltmp4:
0x1e4: {  	(pc) =	sbr.rel .LBB2_6-.Ltmp4, $3  }
0x1e5: {  	_ =	sdelay $0x1  }
0x1e6: {  	s24 =	simm.s32 $0x100;
	s30 =	simm.s32 $0x180;
	s29 =	simm.s32 $0x280  }
0x1e7: {  	s28 =	simm.s32 $0x300;
	s25 =	simm.s32 $0x380;
	s23 =	rddreg [dreg:$0x5]  }
.Lfunc_end2:
_tile_overlayer_lowered:
.L_overlay_start_2:
0x1e8: {  	(tag) =	ssettag $0x2  }
0x1e9: {  	s0 =	rddreg [dreg:$0x0];
	s2 =	stileid.u32  }
0x1ea: {  	s1 =	rddreg [dreg:$0x1];
	p0 =	sne.s32 s2, $0x0  }
0x1eb: {  	s3 =	rddreg [dreg:$0x2];
	[bflag:$0x3] =	sbarrier.arrive $0xFFFF;
	s2 =	simm.s32 @!p0 $0x1C0D  }
0x1ec: {  	[timem:s3], [sflag:s2] =	dma.local @!p0 [hbm:s0], s1  }
0x1ed: {  	s0 =	simm.s32 @!p0 $0xD  }
0x1ee: {  	_ =	swait.ge @!p0 [sflag:s0], s1  }
0x1ef: {  	s1 =	ssub.s32 @!p0 $0x0, s1;
	[sflag:s0] =	ssyncset.done @!p0 $0x0  }
0x1f0: {  	[sflag:s0] =	ssyncadd.s32 @!p0 s1  }
0x1f1: {  	[bflag:$0x3] =	sbarrier.arrive $0xFFFF  }
0x1f2: {  	_ =	shalt  }

</sc_bundles>
